<compile_context>
chip_gen: v7x
topology: tpu7x:2x2x1
jax: 0.10.2.dev20260603
libtpu: 0.0.44.dev20260713+nightly
codegen_flags: <defaults>
</compile_context>

<pallas_src>
import jax
import jax.numpy as jnp
from jax import lax
from jax.experimental import pallas as pl
from jax.experimental.pallas import tpu as pltpu
from jax.experimental.pallas import tpu_sc as plsc

_N = 100
_NP = 128
_E = 3200
_P = 4
_R = 32 // _P
_ROWS = _NP // _R
_EPP = _E // _P
_VECS = _EPP // 16


def _sc_adj_kernel(edge_hbm, out_hbm, edge_v, acc_v):
    wid = lax.axis_index("s") * 2 + lax.axis_index("c")
    part = wid // _R
    rng = wid % _R
    row_base = rng * _ROWS
    edge_base = part * _EPP

    zeros = jnp.zeros((16,), jnp.float32)
    for r in range(_ROWS):
        for c in range(_NP // 16):
            acc_v[r, pl.ds(c * 16, 16)] = zeros

    pltpu.sync_copy(edge_hbm, edge_v)

    ones = jnp.full((16,), 1.0, jnp.float32)

    def edge_body(i, carry):
        s = edge_v[0, pl.ds(edge_base + i * 16, 16)]
        d = edge_v[1, pl.ds(edge_base + i * 16, 16)]
        rel = d - row_base
        m = (rel >= 0) & (rel < _ROWS)
        relc = jnp.where(m, rel, 0)
        plsc.addupdate_scatter(acc_v, [relc, s], ones, mask=m)
        return carry

    lax.fori_loop(0, _VECS, edge_body, 0)

    pltpu.sync_copy(acc_v, out_hbm.at[pl.ds(part * _NP + row_base, _ROWS)])


def _sc_build_adj(edge_index):
    mesh = plsc.VectorSubcoreMesh(core_axis_name="c", subcore_axis_name="s")
    return pl.kernel(
        _sc_adj_kernel,
        out_type=jax.ShapeDtypeStruct((_P * _NP, _NP), jnp.float32),
        mesh=mesh,
        compiler_params=pltpu.CompilerParams(needs_layout_passes=False),
        scratch_types=[
            pltpu.VMEM((2, _E), jnp.int32),
            pltpu.VMEM((_ROWS, _NP), jnp.float32),
        ],
    )(edge_index)


def _gcn_dense_kernel(adj_ref, x_ref, w1_ref, b1_ref, w2_ref, b2_ref,
                      out_ref):
    f32 = jnp.float32
    hi = lax.Precision.HIGHEST

    adj = (adj_ref[0 * _NP:1 * _NP] + adj_ref[1 * _NP:2 * _NP]
           + adj_ref[2 * _NP:3 * _NP] + adj_ref[3 * _NP:4 * _NP])
    eye = (lax.broadcasted_iota(jnp.int32, (_NP, _NP), 0)
           == lax.broadcasted_iota(jnp.int32, (_NP, _NP), 1)).astype(f32)
    deg = jnp.sum(adj, axis=1, keepdims=True) + 1.0
    dinv = lax.rsqrt(deg)
    dmat = eye * dinv
    a = jnp.dot(jnp.dot(dmat, adj + eye, precision=hi), dmat, precision=hi)
    a_ss = a[:_N, :_N]

    xw = jnp.dot(x_ref[:], w1_ref[:], precision=hi)
    h = jnp.maximum(jnp.dot(a_ss, xw, precision=hi) + b1_ref[:].reshape(1, -1),
                    0.0)
    ah = jnp.dot(a_ss, h, precision=hi)
    out_ref[:] = jnp.dot(ah, w2_ref[:], precision=hi) + b2_ref[:].reshape(1, -1)


@jax.jit
def kernel(x, edge_index, W1, b1, W2, b2):
    adj = _sc_build_adj(edge_index.astype(jnp.int32))
    out = pl.pallas_call(
        _gcn_dense_kernel,
        out_shape=jax.ShapeDtypeStruct((_N, W2.shape[1]), jnp.float32),
    )(adj, x, W1, b1, W2, b2)
    return out.reshape(_N * W2.shape[1])

# --- scband reference (transcript-rebuilt; emitter-appended) ---
"""Pipeline reference for scband-gcnencoder-10694468567653 (READ-ONLY COPY).

The authoritative reference and input builder live on the scoring server;
editing this copy changes nothing except your own understanding.
"""

import jax, jax.numpy as jnp
import numpy as np

N_NODES = 100
N_EDGES = 3200
IN_CH = 128
HID_CH = 128
OUT_CH = 16


def _gcn_conv(x, edge_index, W, b):
    # Faithful PyG GCNConv: linear transform, add self-loops, symmetric normalization,
    # scatter-add aggregation, then bias.
    N = x.shape[0]
    xw = x @ W
    loops = jnp.arange(N, dtype=edge_index.dtype)
    src = jnp.concatenate([edge_index[0], loops])
    dst = jnp.concatenate([edge_index[1], loops])
    deg = jnp.zeros((N,), dtype=xw.dtype).at[dst].add(1.0)
    dinv = jnp.where(deg > 0, deg ** -0.5, 0.0)
    norm = dinv[src] * dinv[dst]
    msg = xw[src] * norm[:, None]
    out = jnp.zeros_like(xw).at[dst].add(msg)
    return out + b


def setup_inputs(seed: int = 0) -> dict:
    key = jax.random.key(seed)
    k_x, k_e, k_w1, k_w2 = jax.random.split(key, 4)
    x = jax.random.normal(k_x, (N_NODES, IN_CH), dtype=jnp.float32)
    edge_index = jax.random.randint(k_e, (2, N_EDGES), 0, N_NODES, dtype=jnp.int64)
    W1 = jax.random.normal(k_w1, (IN_CH, HID_CH), dtype=jnp.float32) * (1.0 / np.sqrt(IN_CH))
    b1 = jnp.zeros((HID_CH,), dtype=jnp.float32)
    W2 = jax.random.normal(k_w2, (HID_CH, OUT_CH), dtype=jnp.float32) * (1.0 / np.sqrt(HID_CH))
    b2 = jnp.zeros((OUT_CH,), dtype=jnp.float32)
    return {"x": x, "edge_index": edge_index, "W1": W1, "b1": b1, "W2": W2, "b2": b2}


def reference(x, edge_index, W1, b1, W2, b2):
    h = jax.nn.relu(_gcn_conv(x, edge_index, W1, b1))
    out = _gcn_conv(h, edge_index, W2, b2)
    return out.reshape(1600)

if __name__ == "__main__":
    import jax
    _d = setup_inputs()
    print(jax.jit(kernel)(*tuple(_d.values())))

</pallas_src>

<mosaic_0001>
#map = affine_map<(d0, d1) -> (0, 0)>
module attributes {stable_mosaic.version = 14 : i64} {
  func.func @_sc_adj_kernel(%arg0: i32, %arg1: i32, %arg2: memref<2x3200xi32, #tpu.memory_space<hbm>>, %arg3: memref<512x128xf32, #tpu.memory_space<hbm>>, %arg4: memref<2x3200xi32, #tpu.memory_space<vmem>>, %arg5: memref<16x128xf32, #tpu.memory_space<vmem>>) attributes {dimension_semantics = [#tpu.dimension_semantics<core_parallel>, #tpu.dimension_semantics<subcore_parallel>], iteration_bounds = array<i64: 2, 16>, scalar_prefetch = 0 : i64, scratch_operands = 2 : i64, tpu.core_type = #tpu.core_type<sc_vector_subcore>, window_params = [{transform_indices = #map}, {transform_indices = #map}]} {
    %mul3A = arith.constant 2 : i32
    %mul3A_0 = arith.muli %arg1, %mul3A : i32
    %add3A = arith.addi %mul3A_0, %arg0 : i32
    %jit3A = arith.constant 8 : i32
    %div3A = arith.divsi %add3A, %jit3A : i32
    %sign3A = arith.constant 0 : i32
    %sign3A_1 = arith.cmpi sgt, %add3A, %sign3A : i32
    %sign3A_2 = arith.extui %sign3A_1 : i1 to i32
    %sign3A_3 = arith.constant 0 : i32
    %sign3A_4 = arith.cmpi slt, %add3A, %sign3A_3 : i32
    %sign3A_5 = arith.extui %sign3A_4 : i1 to i32
    %sign3A_6 = arith.subi %sign3A_2, %sign3A_5 : i32
    %sign3A_7 = arith.constant 0 : i32
    %sign3A_8 = arith.cmpi sgt, %jit3A, %sign3A_7 : i32
    %sign3A_9 = arith.extui %sign3A_8 : i1 to i32
    %sign3A_10 = arith.constant 0 : i32
    %sign3A_11 = arith.cmpi slt, %jit3A, %sign3A_10 : i32
    %sign3A_12 = arith.extui %sign3A_11 : i1 to i32
    %sign3A_13 = arith.subi %sign3A_9, %sign3A_12 : i32
    %ne3A = arith.cmpi ne, %sign3A_6, %sign3A_13 : i32
    %rem3A = arith.remsi %add3A, %jit3A : i32
    %ne3A_14 = arith.constant 0 : i32
    %ne3A_15 = arith.cmpi ne, %rem3A, %ne3A_14 : i32
    %and3A = arith.andi %ne3A, %ne3A_15 : i1
    %sub3A = arith.constant 1 : i32
    %sub3A_16 = arith.subi %div3A, %sub3A : i32
    %select_n3A = arith.select %and3A, %sub3A_16, %div3A : i32
    %jit3A_17 = arith.constant 8 : i32
    %eq3A = arith.constant 0 : i32
    %eq3A_18 = arith.cmpi eq, %jit3A_17, %eq3A : i32
    %jit3A_19 = arith.constant 1 : i32
    %select_n3A_20 = arith.select %eq3A_18, %jit3A_19, %jit3A_17 : i32
    %rem3A_21 = arith.remsi %add3A, %select_n3A_20 : i32
    %ne3A_22 = arith.constant 0 : i32
    %ne3A_23 = arith.cmpi ne, %rem3A_21, %ne3A_22 : i32
    %lt3A = arith.constant 0 : i32
    %lt3A_24 = arith.cmpi slt, %rem3A_21, %lt3A : i32
    %lt3A_25 = arith.constant 0 : i32
    %lt3A_26 = arith.cmpi slt, %select_n3A_20, %lt3A_25 : i32
    %ne3A_27 = arith.xori %lt3A_24, %lt3A_26 : i1
    %and3A_28 = arith.andi %ne3A_27, %ne3A_23 : i1
    %add3A_29 = arith.addi %rem3A_21, %select_n3A_20 : i32
    %select_n3A_30 = arith.select %and3A_28, %add3A_29, %rem3A_21 : i32
    %mul3A_31 = arith.constant 16 : i32
    %mul3A_32 = arith.muli %select_n3A_30, %mul3A_31 : i32
    %mul3A_33 = arith.constant 800 : i32
    %mul3A_34 = arith.muli %select_n3A, %mul3A_33 : i32
    %broadcast_in_dim3A = arith.constant 0.000000e+00 : f32
    %broadcast_in_dim3A_35 = vector.broadcast %broadcast_in_dim3A : f32 to vector<16xf32>
    %swap3A = arith.constant 0 : i32
    %swap3A_36 = arith.index_cast %swap3A : i32 to index
    %swap3A_37 = arith.constant 0 : index
    %swap3A_38 = tpu.vector_load %arg5[%swap3A_36, %swap3A_37] {strides = array<i32>} : memref<16x128xf32, #tpu.memory_space<vmem>>, vector<16xf32>,
    tpu.vector_store %arg5[%swap3A_36, %swap3A_37], %broadcast_in_dim3A_35 {strides = array<i32>} : memref<16x128xf32, #tpu.memory_space<vmem>>, vector<16xf32>,
    %swap3A_39 = arith.constant 0 : i32
    %swap3A_40 = arith.index_cast %swap3A_39 : i32 to index
    %swap3A_41 = arith.constant 16 : index
    %swap3A_42 = tpu.vector_load %arg5[%swap3A_40, %swap3A_41] {strides = array<i32>} : memref<16x128xf32, #tpu.memory_space<vmem>>, vector<16xf32>,
    tpu.vector_store %arg5[%swap3A_40, %swap3A_41], %broadcast_in_dim3A_35 {strides = array<i32>} : memref<16x128xf32, #tpu.memory_space<vmem>>, vector<16xf32>,
    %swap3A_43 = arith.constant 0 : i32
    %swap3A_44 = arith.index_cast %swap3A_43 : i32 to index
    %swap3A_45 = arith.constant 32 : index
    %swap3A_46 = tpu.vector_load %arg5[%swap3A_44, %swap3A_45] {strides = array<i32>} : memref<16x128xf32, #tpu.memory_space<vmem>>, vector<16xf32>,
    tpu.vector_store %arg5[%swap3A_44, %swap3A_45], %broadcast_in_dim3A_35 {strides = array<i32>} : memref<16x128xf32, #tpu.memory_space<vmem>>, vector<16xf32>,
    %swap3A_47 = arith.constant 0 : i32
    %swap3A_48 = arith.index_cast %swap3A_47 : i32 to index
    %swap3A_49 = arith.constant 48 : index
    %swap3A_50 = tpu.vector_load %arg5[%swap3A_48, %swap3A_49] {strides = array<i32>} : memref<16x128xf32, #tpu.memory_space<vmem>>, vector<16xf32>,
    tpu.vector_store %arg5[%swap3A_48, %swap3A_49], %broadcast_in_dim3A_35 {strides = array<i32>} : memref<16x128xf32, #tpu.memory_space<vmem>>, vector<16xf32>,
    %swap3A_51 = arith.constant 0 : i32
    %swap3A_52 = arith.index_cast %swap3A_51 : i32 to index
    %swap3A_53 = arith.constant 64 : index
    %swap3A_54 = tpu.vector_load %arg5[%swap3A_52, %swap3A_53] {strides = array<i32>} : memref<16x128xf32, #tpu.memory_space<vmem>>, vector<16xf32>,
    tpu.vector_store %arg5[%swap3A_52, %swap3A_53], %broadcast_in_dim3A_35 {strides = array<i32>} : memref<16x128xf32, #tpu.memory_space<vmem>>, vector<16xf32>,
    %swap3A_55 = arith.constant 0 : i32
    %swap3A_56 = arith.index_cast %swap3A_55 : i32 to index
    %swap3A_57 = arith.constant 80 : index
    %swap3A_58 = tpu.vector_load %arg5[%swap3A_56, %swap3A_57] {strides = array<i32>} : memref<16x128xf32, #tpu.memory_space<vmem>>, vector<16xf32>,
    tpu.vector_store %arg5[%swap3A_56, %swap3A_57], %broadcast_in_dim3A_35 {strides = array<i32>} : memref<16x128xf32, #tpu.memory_space<vmem>>, vector<16xf32>,
    %swap3A_59 = arith.constant 0 : i32
    %swap3A_60 = arith.index_cast %swap3A_59 : i32 to index
    %swap3A_61 = arith.constant 96 : index
    %swap3A_62 = tpu.vector_load %arg5[%swap3A_60, %swap3A_61] {strides = array<i32>} : memref<16x128xf32, #tpu.memory_space<vmem>>, vector<16xf32>,
    tpu.vector_store %arg5[%swap3A_60, %swap3A_61], %broadcast_in_dim3A_35 {strides = array<i32>} : memref<16x128xf32, #tpu.memory_space<vmem>>, vector<16xf32>,
    %swap3A_63 = arith.constant 0 : i32
    %swap3A_64 = arith.index_cast %swap3A_63 : i32 to index
    %swap3A_65 = arith.constant 112 : index
    %swap3A_66 = tpu.vector_load %arg5[%swap3A_64, %swap3A_65] {strides = array<i32>} : memref<16x128xf32, #tpu.memory_space<vmem>>, vector<16xf32>,
    tpu.vector_store %arg5[%swap3A_64, %swap3A_65], %broadcast_in_dim3A_35 {strides = array<i32>} : memref<16x128xf32, #tpu.memory_space<vmem>>, vector<16xf32>,
    %swap3A_67 = arith.constant 1 : i32
    %swap3A_68 = arith.index_cast %swap3A_67 : i32 to index
    %swap3A_69 = arith.constant 0 : index
    %swap3A_70 = tpu.vector_load %arg5[%swap3A_68, %swap3A_69] {strides = array<i32>} : memref<16x128xf32, #tpu.memory_space<vmem>>, vector<16xf32>,
    tpu.vector_store %arg5[%swap3A_68, %swap3A_69], %broadcast_in_dim3A_35 {strides = array<i32>} : memref<16x128xf32, #tpu.memory_space<vmem>>, vector<16xf32>,
    %swap3A_71 = arith.constant 1 : i32
    %swap3A_72 = arith.index_cast %swap3A_71 : i32 to index
    %swap3A_73 = arith.constant 16 : index
    %swap3A_74 = tpu.vector_load %arg5[%swap3A_72, %swap3A_73] {strides = array<i32>} : memref<16x128xf32, #tpu.memory_space<vmem>>, vector<16xf32>,
    tpu.vector_store %arg5[%swap3A_72, %swap3A_73], %broadcast_in_dim3A_35 {strides = array<i32>} : memref<16x128xf32, #tpu.memory_space<vmem>>, vector<16xf32>,
    %swap3A_75 = arith.constant 1 : i32
    %swap3A_76 = arith.index_cast %swap3A_75 : i32 to index
    %swap3A_77 = arith.constant 32 : index
    %swap3A_78 = tpu.vector_load %arg5[%swap3A_76, %swap3A_77] {strides = array<i32>} : memref<16x128xf32, #tpu.memory_space<vmem>>, vector<16xf32>,
    tpu.vector_store %arg5[%swap3A_76, %swap3A_77], %broadcast_in_dim3A_35 {strides = array<i32>} : memref<16x128xf32, #tpu.memory_space<vmem>>, vector<16xf32>,
    %swap3A_79 = arith.constant 1 : i32
    %swap3A_80 = arith.index_cast %swap3A_79 : i32 to index
    %swap3A_81 = arith.constant 48 : index
    %swap3A_82 = tpu.vector_load %arg5[%swap3A_80, %swap3A_81] {strides = array<i32>} : memref<16x128xf32, #tpu.memory_space<vmem>>, vector<16xf32>,
    tpu.vector_store %arg5[%swap3A_80, %swap3A_81], %broadcast_in_dim3A_35 {strides = array<i32>} : memref<16x128xf32, #tpu.memory_space<vmem>>, vector<16xf32>,
    %swap3A_83 = arith.constant 1 : i32
    %swap3A_84 = arith.index_cast %swap3A_83 : i32 to index
    %swap3A_85 = arith.constant 64 : index
    %swap3A_86 = tpu.vector_load %arg5[%swap3A_84, %swap3A_85] {strides = array<i32>} : memref<16x128xf32, #tpu.memory_space<vmem>>, vector<16xf32>,
    tpu.vector_store %arg5[%swap3A_84, %swap3A_85], %broadcast_in_dim3A_35 {strides = array<i32>} : memref<16x128xf32, #tpu.memory_space<vmem>>, vector<16xf32>,
    %swap3A_87 = arith.constant 1 : i32
    %swap3A_88 = arith.index_cast %swap3A_87 : i32 to index
    %swap3A_89 = arith.constant 80 : index
    %swap3A_90 = tpu.vector_load %arg5[%swap3A_88, %swap3A_89] {strides = array<i32>} : memref<16x128xf32, #tpu.memory_space<vmem>>, vector<16xf32>,
    tpu.vector_store %arg5[%swap3A_88, %swap3A_89], %broadcast_in_dim3A_35 {strides = array<i32>} : memref<16x128xf32, #tpu.memory_space<vmem>>, vector<16xf32>,
    %swap3A_91 = arith.constant 1 : i32
    %swap3A_92 = arith.index_cast %swap3A_91 : i32 to index
    %swap3A_93 = arith.constant 96 : index
    %swap3A_94 = tpu.vector_load %arg5[%swap3A_92, %swap3A_93] {strides = array<i32>} : memref<16x128xf32, #tpu.memory_space<vmem>>, vector<16xf32>,
    tpu.vector_store %arg5[%swap3A_92, %swap3A_93], %broadcast_in_dim3A_35 {strides = array<i32>} : memref<16x128xf32, #tpu.memory_space<vmem>>, vector<16xf32>,
    %swap3A_95 = arith.constant 1 : i32
    %swap3A_96 = arith.index_cast %swap3A_95 : i32 to index
    %swap3A_97 = arith.constant 112 : index
    %swap3A_98 = tpu.vector_load %arg5[%swap3A_96, %swap3A_97] {strides = array<i32>} : memref<16x128xf32, #tpu.memory_space<vmem>>, vector<16xf32>,
    tpu.vector_store %arg5[%swap3A_96, %swap3A_97], %broadcast_in_dim3A_35 {strides = array<i32>} : memref<16x128xf32, #tpu.memory_space<vmem>>, vector<16xf32>,
    %swap3A_99 = arith.constant 2 : i32
    %swap3A_100 = arith.index_cast %swap3A_99 : i32 to index
    %swap3A_101 = arith.constant 0 : index
    %swap3A_102 = tpu.vector_load %arg5[%swap3A_100, %swap3A_101] {strides = array<i32>} : memref<16x128xf32, #tpu.memory_space<vmem>>, vector<16xf32>,
    tpu.vector_store %arg5[%swap3A_100, %swap3A_101], %broadcast_in_dim3A_35 {strides = array<i32>} : memref<16x128xf32, #tpu.memory_space<vmem>>, vector<16xf32>,
    %swap3A_103 = arith.constant 2 : i32
    %swap3A_104 = arith.index_cast %swap3A_103 : i32 to index
    %swap3A_105 = arith.constant 16 : index
    %swap3A_106 = tpu.vector_load %arg5[%swap3A_104, %swap3A_105] {strides = array<i32>} : memref<16x128xf32, #tpu.memory_space<vmem>>, vector<16xf32>,
    tpu.vector_store %arg5[%swap3A_104, %swap3A_105], %broadcast_in_dim3A_35 {strides = array<i32>} : memref<16x128xf32, #tpu.memory_space<vmem>>, vector<16xf32>,
    %swap3A_107 = arith.constant 2 : i32
    %swap3A_108 = arith.index_cast %swap3A_107 : i32 to index
    %swap3A_109 = arith.constant 32 : index
    %swap3A_110 = tpu.vector_load %arg5[%swap3A_108, %swap3A_109] {strides = array<i32>} : memref<16x128xf32, #tpu.memory_space<vmem>>, vector<16xf32>,
    tpu.vector_store %arg5[%swap3A_108, %swap3A_109], %broadcast_in_dim3A_35 {strides = array<i32>} : memref<16x128xf32, #tpu.memory_space<vmem>>, vector<16xf32>,
    %swap3A_111 = arith.constant 2 : i32
    %swap3A_112 = arith.index_cast %swap3A_111 : i32 to index
    %swap3A_113 = arith.constant 48 : index
    %swap3A_114 = tpu.vector_load %arg5[%swap3A_112, %swap3A_113] {strides = array<i32>} : memref<16x128xf32, #tpu.memory_space<vmem>>, vector<16xf32>,
    tpu.vector_store %arg5[%swap3A_112, %swap3A_113], %broadcast_in_dim3A_35 {strides = array<i32>} : memref<16x128xf32, #tpu.memory_space<vmem>>, vector<16xf32>,
    %swap3A_115 = arith.constant 2 : i32
    %swap3A_116 = arith.index_cast %swap3A_115 : i32 to index
    %swap3A_117 = arith.constant 64 : index
    %swap3A_118 = tpu.vector_load %arg5[%swap3A_116, %swap3A_117] {strides = array<i32>} : memref<16x128xf32, #tpu.memory_space<vmem>>, vector<16xf32>,
    tpu.vector_store %arg5[%swap3A_116, %swap3A_117], %broadcast_in_dim3A_35 {strides = array<i32>} : memref<16x128xf32, #tpu.memory_space<vmem>>, vector<16xf32>,
    %swap3A_119 = arith.constant 2 : i32
    %swap3A_120 = arith.index_cast %swap3A_119 : i32 to index
    %swap3A_121 = arith.constant 80 : index
    %swap3A_122 = tpu.vector_load %arg5[%swap3A_120, %swap3A_121] {strides = array<i32>} : memref<16x128xf32, #tpu.memory_space<vmem>>, vector<16xf32>,
    tpu.vector_store %arg5[%swap3A_120, %swap3A_121], %broadcast_in_dim3A_35 {strides = array<i32>} : memref<16x128xf32, #tpu.memory_space<vmem>>, vector<16xf32>,
    %swap3A_123 = arith.constant 2 : i32
    %swap3A_124 = arith.index_cast %swap3A_123 : i32 to index
    %swap3A_125 = arith.constant 96 : index
    %swap3A_126 = tpu.vector_load %arg5[%swap3A_124, %swap3A_125] {strides = array<i32>} : memref<16x128xf32, #tpu.memory_space<vmem>>, vector<16xf32>,
    tpu.vector_store %arg5[%swap3A_124, %swap3A_125], %broadcast_in_dim3A_35 {strides = array<i32>} : memref<16x128xf32, #tpu.memory_space<vmem>>, vector<16xf32>,
    %swap3A_127 = arith.constant 2 : i32
    %swap3A_128 = arith.index_cast %swap3A_127 : i32 to index
    %swap3A_129 = arith.constant 112 : index
    %swap3A_130 = tpu.vector_load %arg5[%swap3A_128, %swap3A_129] {strides = array<i32>} : memref<16x128xf32, #tpu.memory_space<vmem>>, vector<16xf32>,
    tpu.vector_store %arg5[%swap3A_128, %swap3A_129], %broadcast_in_dim3A_35 {strides = array<i32>} : memref<16x128xf32, #tpu.memory_space<vmem>>, vector<16xf32>,
    %swap3A_131 = arith.constant 3 : i32
    %swap3A_132 = arith.index_cast %swap3A_131 : i32 to index
    %swap3A_133 = arith.constant 0 : index
    %swap3A_134 = tpu.vector_load %arg5[%swap3A_132, %swap3A_133] {strides = array<i32>} : memref<16x128xf32, #tpu.memory_space<vmem>>, vector<16xf32>,
    tpu.vector_store %arg5[%swap3A_132, %swap3A_133], %broadcast_in_dim3A_35 {strides = array<i32>} : memref<16x128xf32, #tpu.memory_space<vmem>>, vector<16xf32>,
    %swap3A_135 = arith.constant 3 : i32
    %swap3A_136 = arith.index_cast %swap3A_135 : i32 to index
    %swap3A_137 = arith.constant 16 : index
    %swap3A_138 = tpu.vector_load %arg5[%swap3A_136, %swap3A_137] {strides = array<i32>} : memref<16x128xf32, #tpu.memory_space<vmem>>, vector<16xf32>,
    tpu.vector_store %arg5[%swap3A_136, %swap3A_137], %broadcast_in_dim3A_35 {strides = array<i32>} : memref<16x128xf32, #tpu.memory_space<vmem>>, vector<16xf32>,
    %swap3A_139 = arith.constant 3 : i32
    %swap3A_140 = arith.index_cast %swap3A_139 : i32 to index
    %swap3A_141 = arith.constant 32 : index
    %swap3A_142 = tpu.vector_load %arg5[%swap3A_140, %swap3A_141] {strides = array<i32>} : memref<16x128xf32, #tpu.memory_space<vmem>>, vector<16xf32>,
    tpu.vector_store %arg5[%swap3A_140, %swap3A_141], %broadcast_in_dim3A_35 {strides = array<i32>} : memref<16x128xf32, #tpu.memory_space<vmem>>, vector<16xf32>,
    %swap3A_143 = arith.constant 3 : i32
    %swap3A_144 = arith.index_cast %swap3A_143 : i32 to index
    %swap3A_145 = arith.constant 48 : index
    %swap3A_146 = tpu.vector_load %arg5[%swap3A_144, %swap3A_145] {strides = array<i32>} : memref<16x128xf32, #tpu.memory_space<vmem>>, vector<16xf32>,
    tpu.vector_store %arg5[%swap3A_144, %swap3A_145], %broadcast_in_dim3A_35 {strides = array<i32>} : memref<16x128xf32, #tpu.memory_space<vmem>>, vector<16xf32>,
    %swap3A_147 = arith.constant 3 : i32
    %swap3A_148 = arith.index_cast %swap3A_147 : i32 to index
    %swap3A_149 = arith.constant 64 : index
    %swap3A_150 = tpu.vector_load %arg5[%swap3A_148, %swap3A_149] {strides = array<i32>} : memref<16x128xf32, #tpu.memory_space<vmem>>, vector<16xf32>,
    tpu.vector_store %arg5[%swap3A_148, %swap3A_149], %broadcast_in_dim3A_35 {strides = array<i32>} : memref<16x128xf32, #tpu.memory_space<vmem>>, vector<16xf32>,
    %swap3A_151 = arith.constant 3 : i32
    %swap3A_152 = arith.index_cast %swap3A_151 : i32 to index
    %swap3A_153 = arith.constant 80 : index
    %swap3A_154 = tpu.vector_load %arg5[%swap3A_152, %swap3A_153] {strides = array<i32>} : memref<16x128xf32, #tpu.memory_space<vmem>>, vector<16xf32>,
    tpu.vector_store %arg5[%swap3A_152, %swap3A_153], %broadcast_in_dim3A_35 {strides = array<i32>} : memref<16x128xf32, #tpu.memory_space<vmem>>, vector<16xf32>,
    %swap3A_155 = arith.constant 3 : i32
    %swap3A_156 = arith.index_cast %swap3A_155 : i32 to index
    %swap3A_157 = arith.constant 96 : index
    %swap3A_158 = tpu.vector_load %arg5[%swap3A_156, %swap3A_157] {strides = array<i32>} : memref<16x128xf32, #tpu.memory_space<vmem>>, vector<16xf32>,
    tpu.vector_store %arg5[%swap3A_156, %swap3A_157], %broadcast_in_dim3A_35 {strides = array<i32>} : memref<16x128xf32, #tpu.memory_space<vmem>>, vector<16xf32>,
    %swap3A_159 = arith.constant 3 : i32
    %swap3A_160 = arith.index_cast %swap3A_159 : i32 to index
    %swap3A_161 = arith.constant 112 : index
    %swap3A_162 = tpu.vector_load %arg5[%swap3A_160, %swap3A_161] {strides = array<i32>} : memref<16x128xf32, #tpu.memory_space<vmem>>, vector<16xf32>,
    tpu.vector_store %arg5[%swap3A_160, %swap3A_161], %broadcast_in_dim3A_35 {strides = array<i32>} : memref<16x128xf32, #tpu.memory_space<vmem>>, vector<16xf32>,
    %swap3A_163 = arith.constant 4 : i32
    %swap3A_164 = arith.index_cast %swap3A_163 : i32 to index
    %swap3A_165 = arith.constant 0 : index
    %swap3A_166 = tpu.vector_load %arg5[%swap3A_164, %swap3A_165] {strides = array<i32>} : memref<16x128xf32, #tpu.memory_space<vmem>>, vector<16xf32>,
    tpu.vector_store %arg5[%swap3A_164, %swap3A_165], %broadcast_in_dim3A_35 {strides = array<i32>} : memref<16x128xf32, #tpu.memory_space<vmem>>, vector<16xf32>,
    %swap3A_167 = arith.constant 4 : i32
    %swap3A_168 = arith.index_cast %swap3A_167 : i32 to index
    %swap3A_169 = arith.constant 16 : index
    %swap3A_170 = tpu.vector_load %arg5[%swap3A_168, %swap3A_169] {strides = array<i32>} : memref<16x128xf32, #tpu.memory_space<vmem>>, vector<16xf32>,
    tpu.vector_store %arg5[%swap3A_168, %swap3A_169], %broadcast_in_dim3A_35 {strides = array<i32>} : memref<16x128xf32, #tpu.memory_space<vmem>>, vector<16xf32>,
    %swap3A_171 = arith.constant 4 : i32
    %swap3A_172 = arith.index_cast %swap3A_171 : i32 to index
    %swap3A_173 = arith.constant 32 : index
    %swap3A_174 = tpu.vector_load %arg5[%swap3A_172, %swap3A_173] {strides = array<i32>} : memref<16x128xf32, #tpu.memory_space<vmem>>, vector<16xf32>,
    tpu.vector_store %arg5[%swap3A_172, %swap3A_173], %broadcast_in_dim3A_35 {strides = array<i32>} : memref<16x128xf32, #tpu.memory_space<vmem>>, vector<16xf32>,
    %swap3A_175 = arith.constant 4 : i32
    %swap3A_176 = arith.index_cast %swap3A_175 : i32 to index
    %swap3A_177 = arith.constant 48 : index
    %swap3A_178 = tpu.vector_load %arg5[%swap3A_176, %swap3A_177] {strides = array<i32>} : memref<16x128xf32, #tpu.memory_space<vmem>>, vector<16xf32>,
    tpu.vector_store %arg5[%swap3A_176, %swap3A_177], %broadcast_in_dim3A_35 {strides = array<i32>} : memref<16x128xf32, #tpu.memory_space<vmem>>, vector<16xf32>,
    %swap3A_179 = arith.constant 4 : i32
    %swap3A_180 = arith.index_cast %swap3A_179 : i32 to index
    %swap3A_181 = arith.constant 64 : index
    %swap3A_182 = tpu.vector_load %arg5[%swap3A_180, %swap3A_181] {strides = array<i32>} : memref<16x128xf32, #tpu.memory_space<vmem>>, vector<16xf32>,
    tpu.vector_store %arg5[%swap3A_180, %swap3A_181], %broadcast_in_dim3A_35 {strides = array<i32>} : memref<16x128xf32, #tpu.memory_space<vmem>>, vector<16xf32>,
    %swap3A_183 = arith.constant 4 : i32
    %swap3A_184 = arith.index_cast %swap3A_183 : i32 to index
    %swap3A_185 = arith.constant 80 : index
    %swap3A_186 = tpu.vector_load %arg5[%swap3A_184, %swap3A_185] {strides = array<i32>} : memref<16x128xf32, #tpu.memory_space<vmem>>, vector<16xf32>,
    tpu.vector_store %arg5[%swap3A_184, %swap3A_185], %broadcast_in_dim3A_35 {strides = array<i32>} : memref<16x128xf32, #tpu.memory_space<vmem>>, vector<16xf32>,
    %swap3A_187 = arith.constant 4 : i32
    %swap3A_188 = arith.index_cast %swap3A_187 : i32 to index
    %swap3A_189 = arith.constant 96 : index
    %swap3A_190 = tpu.vector_load %arg5[%swap3A_188, %swap3A_189] {strides = array<i32>} : memref<16x128xf32, #tpu.memory_space<vmem>>, vector<16xf32>,
    tpu.vector_store %arg5[%swap3A_188, %swap3A_189], %broadcast_in_dim3A_35 {strides = array<i32>} : memref<16x128xf32, #tpu.memory_space<vmem>>, vector<16xf32>,
    %swap3A_191 = arith.constant 4 : i32
    %swap3A_192 = arith.index_cast %swap3A_191 : i32 to index
    %swap3A_193 = arith.constant 112 : index
    %swap3A_194 = tpu.vector_load %arg5[%swap3A_192, %swap3A_193] {strides = array<i32>} : memref<16x128xf32, #tpu.memory_space<vmem>>, vector<16xf32>,
    tpu.vector_store %arg5[%swap3A_192, %swap3A_193], %broadcast_in_dim3A_35 {strides = array<i32>} : memref<16x128xf32, #tpu.memory_space<vmem>>, vector<16xf32>,
    %swap3A_195 = arith.constant 5 : i32
    %swap3A_196 = arith.index_cast %swap3A_195 : i32 to index
    %swap3A_197 = arith.constant 0 : index
    %swap3A_198 = tpu.vector_load %arg5[%swap3A_196, %swap3A_197] {strides = array<i32>} : memref<16x128xf32, #tpu.memory_space<vmem>>, vector<16xf32>,
    tpu.vector_store %arg5[%swap3A_196, %swap3A_197], %broadcast_in_dim3A_35 {strides = array<i32>} : memref<16x128xf32, #tpu.memory_space<vmem>>, vector<16xf32>,
    %swap3A_199 = arith.constant 5 : i32
    %swap3A_200 = arith.index_cast %swap3A_199 : i32 to index
    %swap3A_201 = arith.constant 16 : index
    %swap3A_202 = tpu.vector_load %arg5[%swap3A_200, %swap3A_201] {strides = array<i32>} : memref<16x128xf32, #tpu.memory_space<vmem>>, vector<16xf32>,
    tpu.vector_store %arg5[%swap3A_200, %swap3A_201], %broadcast_in_dim3A_35 {strides = array<i32>} : memref<16x128xf32, #tpu.memory_space<vmem>>, vector<16xf32>,
    %swap3A_203 = arith.constant 5 : i32
    %swap3A_204 = arith.index_cast %swap3A_203 : i32 to index
    %swap3A_205 = arith.constant 32 : index
    %swap3A_206 = tpu.vector_load %arg5[%swap3A_204, %swap3A_205] {strides = array<i32>} : memref<16x128xf32, #tpu.memory_space<vmem>>, vector<16xf32>,
    tpu.vector_store %arg5[%swap3A_204, %swap3A_205], %broadcast_in_dim3A_35 {strides = array<i32>} : memref<16x128xf32, #tpu.memory_space<vmem>>, vector<16xf32>,
    %swap3A_207 = arith.constant 5 : i32
    %swap3A_208 = arith.index_cast %swap3A_207 : i32 to index
    %swap3A_209 = arith.constant 48 : index
    %swap3A_210 = tpu.vector_load %arg5[%swap3A_208, %swap3A_209] {strides = array<i32>} : memref<16x128xf32, #tpu.memory_space<vmem>>, vector<16xf32>,
    tpu.vector_store %arg5[%swap3A_208, %swap3A_209], %broadcast_in_dim3A_35 {strides = array<i32>} : memref<16x128xf32, #tpu.memory_space<vmem>>, vector<16xf32>,
    %swap3A_211 = arith.constant 5 : i32
    %swap3A_212 = arith.index_cast %swap3A_211 : i32 to index
    %swap3A_213 = arith.constant 64 : index
    %swap3A_214 = tpu.vector_load %arg5[%swap3A_212, %swap3A_213] {strides = array<i32>} : memref<16x128xf32, #tpu.memory_space<vmem>>, vector<16xf32>,
    tpu.vector_store %arg5[%swap3A_212, %swap3A_213], %broadcast_in_dim3A_35 {strides = array<i32>} : memref<16x128xf32, #tpu.memory_space<vmem>>, vector<16xf32>,
    %swap3A_215 = arith.constant 5 : i32
    %swap3A_216 = arith.index_cast %swap3A_215 : i32 to index
    %swap3A_217 = arith.constant 80 : index
    %swap3A_218 = tpu.vector_load %arg5[%swap3A_216, %swap3A_217] {strides = array<i32>} : memref<16x128xf32, #tpu.memory_space<vmem>>, vector<16xf32>,
    tpu.vector_store %arg5[%swap3A_216, %swap3A_217], %broadcast_in_dim3A_35 {strides = array<i32>} : memref<16x128xf32, #tpu.memory_space<vmem>>, vector<16xf32>,
    %swap3A_219 = arith.constant 5 : i32
    %swap3A_220 = arith.index_cast %swap3A_219 : i32 to index
    %swap3A_221 = arith.constant 96 : index
    %swap3A_222 = tpu.vector_load %arg5[%swap3A_220, %swap3A_221] {strides = array<i32>} : memref<16x128xf32, #tpu.memory_space<vmem>>, vector<16xf32>,
    tpu.vector_store %arg5[%swap3A_220, %swap3A_221], %broadcast_in_dim3A_35 {strides = array<i32>} : memref<16x128xf32, #tpu.memory_space<vmem>>, vector<16xf32>,
    %swap3A_223 = arith.constant 5 : i32
    %swap3A_224 = arith.index_cast %swap3A_223 : i32 to index
    %swap3A_225 = arith.constant 112 : index
    %swap3A_226 = tpu.vector_load %arg5[%swap3A_224, %swap3A_225] {strides = array<i32>} : memref<16x128xf32, #tpu.memory_space<vmem>>, vector<16xf32>,
    tpu.vector_store %arg5[%swap3A_224, %swap3A_225], %broadcast_in_dim3A_35 {strides = array<i32>} : memref<16x128xf32, #tpu.memory_space<vmem>>, vector<16xf32>,
    %swap3A_227 = arith.constant 6 : i32
    %swap3A_228 = arith.index_cast %swap3A_227 : i32 to index
    %swap3A_229 = arith.constant 0 : index
    %swap3A_230 = tpu.vector_load %arg5[%swap3A_228, %swap3A_229] {strides = array<i32>} : memref<16x128xf32, #tpu.memory_space<vmem>>, vector<16xf32>,
    tpu.vector_store %arg5[%swap3A_228, %swap3A_229], %broadcast_in_dim3A_35 {strides = array<i32>} : memref<16x128xf32, #tpu.memory_space<vmem>>, vector<16xf32>,
    %swap3A_231 = arith.constant 6 : i32
    %swap3A_232 = arith.index_cast %swap3A_231 : i32 to index
    %swap3A_233 = arith.constant 16 : index
    %swap3A_234 = tpu.vector_load %arg5[%swap3A_232, %swap3A_233] {strides = array<i32>} : memref<16x128xf32, #tpu.memory_space<vmem>>, vector<16xf32>,
    tpu.vector_store %arg5[%swap3A_232, %swap3A_233], %broadcast_in_dim3A_35 {strides = array<i32>} : memref<16x128xf32, #tpu.memory_space<vmem>>, vector<16xf32>,
    %swap3A_235 = arith.constant 6 : i32
    %swap3A_236 = arith.index_cast %swap3A_235 : i32 to index
    %swap3A_237 = arith.constant 32 : index
    %swap3A_238 = tpu.vector_load %arg5[%swap3A_236, %swap3A_237] {strides = array<i32>} : memref<16x128xf32, #tpu.memory_space<vmem>>, vector<16xf32>,
    tpu.vector_store %arg5[%swap3A_236, %swap3A_237], %broadcast_in_dim3A_35 {strides = array<i32>} : memref<16x128xf32, #tpu.memory_space<vmem>>, vector<16xf32>,
    %swap3A_239 = arith.constant 6 : i32
    %swap3A_240 = arith.index_cast %swap3A_239 : i32 to index
    %swap3A_241 = arith.constant 48 : index
    %swap3A_242 = tpu.vector_load %arg5[%swap3A_240, %swap3A_241] {strides = array<i32>} : memref<16x128xf32, #tpu.memory_space<vmem>>, vector<16xf32>,
    tpu.vector_store %arg5[%swap3A_240, %swap3A_241], %broadcast_in_dim3A_35 {strides = array<i32>} : memref<16x128xf32, #tpu.memory_space<vmem>>, vector<16xf32>,
    %swap3A_243 = arith.constant 6 : i32
    %swap3A_244 = arith.index_cast %swap3A_243 : i32 to index
    %swap3A_245 = arith.constant 64 : index
    %swap3A_246 = tpu.vector_load %arg5[%swap3A_244, %swap3A_245] {strides = array<i32>} : memref<16x128xf32, #tpu.memory_space<vmem>>, vector<16xf32>,
    tpu.vector_store %arg5[%swap3A_244, %swap3A_245], %broadcast_in_dim3A_35 {strides = array<i32>} : memref<16x128xf32, #tpu.memory_space<vmem>>, vector<16xf32>,
    %swap3A_247 = arith.constant 6 : i32
    %swap3A_248 = arith.index_cast %swap3A_247 : i32 to index
    %swap3A_249 = arith.constant 80 : index
    %swap3A_250 = tpu.vector_load %arg5[%swap3A_248, %swap3A_249] {strides = array<i32>} : memref<16x128xf32, #tpu.memory_space<vmem>>, vector<16xf32>,
    tpu.vector_store %arg5[%swap3A_248, %swap3A_249], %broadcast_in_dim3A_35 {strides = array<i32>} : memref<16x128xf32, #tpu.memory_space<vmem>>, vector<16xf32>,
    %swap3A_251 = arith.constant 6 : i32
    %swap3A_252 = arith.index_cast %swap3A_251 : i32 to index
    %swap3A_253 = arith.constant 96 : index
    %swap3A_254 = tpu.vector_load %arg5[%swap3A_252, %swap3A_253] {strides = array<i32>} : memref<16x128xf32, #tpu.memory_space<vmem>>, vector<16xf32>,
    tpu.vector_store %arg5[%swap3A_252, %swap3A_253], %broadcast_in_dim3A_35 {strides = array<i32>} : memref<16x128xf32, #tpu.memory_space<vmem>>, vector<16xf32>,
    %swap3A_255 = arith.constant 6 : i32
    %swap3A_256 = arith.index_cast %swap3A_255 : i32 to index
    %swap3A_257 = arith.constant 112 : index
    %swap3A_258 = tpu.vector_load %arg5[%swap3A_256, %swap3A_257] {strides = array<i32>} : memref<16x128xf32, #tpu.memory_space<vmem>>, vector<16xf32>,
    tpu.vector_store %arg5[%swap3A_256, %swap3A_257], %broadcast_in_dim3A_35 {strides = array<i32>} : memref<16x128xf32, #tpu.memory_space<vmem>>, vector<16xf32>,
    %swap3A_259 = arith.constant 7 : i32
    %swap3A_260 = arith.index_cast %swap3A_259 : i32 to index
    %swap3A_261 = arith.constant 0 : index
    %swap3A_262 = tpu.vector_load %arg5[%swap3A_260, %swap3A_261] {strides = array<i32>} : memref<16x128xf32, #tpu.memory_space<vmem>>, vector<16xf32>,
    tpu.vector_store %arg5[%swap3A_260, %swap3A_261], %broadcast_in_dim3A_35 {strides = array<i32>} : memref<16x128xf32, #tpu.memory_space<vmem>>, vector<16xf32>,
    %swap3A_263 = arith.constant 7 : i32
    %swap3A_264 = arith.index_cast %swap3A_263 : i32 to index
    %swap3A_265 = arith.constant 16 : index
    %swap3A_266 = tpu.vector_load %arg5[%swap3A_264, %swap3A_265] {strides = array<i32>} : memref<16x128xf32, #tpu.memory_space<vmem>>, vector<16xf32>,
    tpu.vector_store %arg5[%swap3A_264, %swap3A_265], %broadcast_in_dim3A_35 {strides = array<i32>} : memref<16x128xf32, #tpu.memory_space<vmem>>, vector<16xf32>,
    %swap3A_267 = arith.constant 7 : i32
    %swap3A_268 = arith.index_cast %swap3A_267 : i32 to index
    %swap3A_269 = arith.constant 32 : index
    %swap3A_270 = tpu.vector_load %arg5[%swap3A_268, %swap3A_269] {strides = array<i32>} : memref<16x128xf32, #tpu.memory_space<vmem>>, vector<16xf32>,
    tpu.vector_store %arg5[%swap3A_268, %swap3A_269], %broadcast_in_dim3A_35 {strides = array<i32>} : memref<16x128xf32, #tpu.memory_space<vmem>>, vector<16xf32>,
    %swap3A_271 = arith.constant 7 : i32
    %swap3A_272 = arith.index_cast %swap3A_271 : i32 to index
    %swap3A_273 = arith.constant 48 : index
    %swap3A_274 = tpu.vector_load %arg5[%swap3A_272, %swap3A_273] {strides = array<i32>} : memref<16x128xf32, #tpu.memory_space<vmem>>, vector<16xf32>,
    tpu.vector_store %arg5[%swap3A_272, %swap3A_273], %broadcast_in_dim3A_35 {strides = array<i32>} : memref<16x128xf32, #tpu.memory_space<vmem>>, vector<16xf32>,
    %swap3A_275 = arith.constant 7 : i32
    %swap3A_276 = arith.index_cast %swap3A_275 : i32 to index
    %swap3A_277 = arith.constant 64 : index
    %swap3A_278 = tpu.vector_load %arg5[%swap3A_276, %swap3A_277] {strides = array<i32>} : memref<16x128xf32, #tpu.memory_space<vmem>>, vector<16xf32>,
    tpu.vector_store %arg5[%swap3A_276, %swap3A_277], %broadcast_in_dim3A_35 {strides = array<i32>} : memref<16x128xf32, #tpu.memory_space<vmem>>, vector<16xf32>,
    %swap3A_279 = arith.constant 7 : i32
    %swap3A_280 = arith.index_cast %swap3A_279 : i32 to index
    %swap3A_281 = arith.constant 80 : index
    %swap3A_282 = tpu.vector_load %arg5[%swap3A_280, %swap3A_281] {strides = array<i32>} : memref<16x128xf32, #tpu.memory_space<vmem>>, vector<16xf32>,
    tpu.vector_store %arg5[%swap3A_280, %swap3A_281], %broadcast_in_dim3A_35 {strides = array<i32>} : memref<16x128xf32, #tpu.memory_space<vmem>>, vector<16xf32>,
    %swap3A_283 = arith.constant 7 : i32
    %swap3A_284 = arith.index_cast %swap3A_283 : i32 to index
    %swap3A_285 = arith.constant 96 : index
    %swap3A_286 = tpu.vector_load %arg5[%swap3A_284, %swap3A_285] {strides = array<i32>} : memref<16x128xf32, #tpu.memory_space<vmem>>, vector<16xf32>,
    tpu.vector_store %arg5[%swap3A_284, %swap3A_285], %broadcast_in_dim3A_35 {strides = array<i32>} : memref<16x128xf32, #tpu.memory_space<vmem>>, vector<16xf32>,
    %swap3A_287 = arith.constant 7 : i32
    %swap3A_288 = arith.index_cast %swap3A_287 : i32 to index
    %swap3A_289 = arith.constant 112 : index
    %swap3A_290 = tpu.vector_load %arg5[%swap3A_288, %swap3A_289] {strides = array<i32>} : memref<16x128xf32, #tpu.memory_space<vmem>>, vector<16xf32>,
    tpu.vector_store %arg5[%swap3A_288, %swap3A_289], %broadcast_in_dim3A_35 {strides = array<i32>} : memref<16x128xf32, #tpu.memory_space<vmem>>, vector<16xf32>,
    %swap3A_291 = arith.constant 8 : i32
    %swap3A_292 = arith.index_cast %swap3A_291 : i32 to index
    %swap3A_293 = arith.constant 0 : index
    %swap3A_294 = tpu.vector_load %arg5[%swap3A_292, %swap3A_293] {strides = array<i32>} : memref<16x128xf32, #tpu.memory_space<vmem>>, vector<16xf32>,
    tpu.vector_store %arg5[%swap3A_292, %swap3A_293], %broadcast_in_dim3A_35 {strides = array<i32>} : memref<16x128xf32, #tpu.memory_space<vmem>>, vector<16xf32>,
    %swap3A_295 = arith.constant 8 : i32
    %swap3A_296 = arith.index_cast %swap3A_295 : i32 to index
    %swap3A_297 = arith.constant 16 : index
    %swap3A_298 = tpu.vector_load %arg5[%swap3A_296, %swap3A_297] {strides = array<i32>} : memref<16x128xf32, #tpu.memory_space<vmem>>, vector<16xf32>,
    tpu.vector_store %arg5[%swap3A_296, %swap3A_297], %broadcast_in_dim3A_35 {strides = array<i32>} : memref<16x128xf32, #tpu.memory_space<vmem>>, vector<16xf32>,
    %swap3A_299 = arith.constant 8 : i32
    %swap3A_300 = arith.index_cast %swap3A_299 : i32 to index
    %swap3A_301 = arith.constant 32 : index
    %swap3A_302 = tpu.vector_load %arg5[%swap3A_300, %swap3A_301] {strides = array<i32>} : memref<16x128xf32, #tpu.memory_space<vmem>>, vector<16xf32>,
    tpu.vector_store %arg5[%swap3A_300, %swap3A_301], %broadcast_in_dim3A_35 {strides = array<i32>} : memref<16x128xf32, #tpu.memory_space<vmem>>, vector<16xf32>,
    %swap3A_303 = arith.constant 8 : i32
    %swap3A_304 = arith.index_cast %swap3A_303 : i32 to index
    %swap3A_305 = arith.constant 48 : index
    %swap3A_306 = tpu.vector_load %arg5[%swap3A_304, %swap3A_305] {strides = array<i32>} : memref<16x128xf32, #tpu.memory_space<vmem>>, vector<16xf32>,
    tpu.vector_store %arg5[%swap3A_304, %swap3A_305], %broadcast_in_dim3A_35 {strides = array<i32>} : memref<16x128xf32, #tpu.memory_space<vmem>>, vector<16xf32>,
    %swap3A_307 = arith.constant 8 : i32
    %swap3A_308 = arith.index_cast %swap3A_307 : i32 to index
    %swap3A_309 = arith.constant 64 : index
    %swap3A_310 = tpu.vector_load %arg5[%swap3A_308, %swap3A_309] {strides = array<i32>} : memref<16x128xf32, #tpu.memory_space<vmem>>, vector<16xf32>,
    tpu.vector_store %arg5[%swap3A_308, %swap3A_309], %broadcast_in_dim3A_35 {strides = array<i32>} : memref<16x128xf32, #tpu.memory_space<vmem>>, vector<16xf32>,
    %swap3A_311 = arith.constant 8 : i32
    %swap3A_312 = arith.index_cast %swap3A_311 : i32 to index
    %swap3A_313 = arith.constant 80 : index
    %swap3A_314 = tpu.vector_load %arg5[%swap3A_312, %swap3A_313] {strides = array<i32>} : memref<16x128xf32, #tpu.memory_space<vmem>>, vector<16xf32>,
    tpu.vector_store %arg5[%swap3A_312, %swap3A_313], %broadcast_in_dim3A_35 {strides = array<i32>} : memref<16x128xf32, #tpu.memory_space<vmem>>, vector<16xf32>,
    %swap3A_315 = arith.constant 8 : i32
    %swap3A_316 = arith.index_cast %swap3A_315 : i32 to index
    %swap3A_317 = arith.constant 96 : index
    %swap3A_318 = tpu.vector_load %arg5[%swap3A_316, %swap3A_317] {strides = array<i32>} : memref<16x128xf32, #tpu.memory_space<vmem>>, vector<16xf32>,
    tpu.vector_store %arg5[%swap3A_316, %swap3A_317], %broadcast_in_dim3A_35 {strides = array<i32>} : memref<16x128xf32, #tpu.memory_space<vmem>>, vector<16xf32>,
    %swap3A_319 = arith.constant 8 : i32
    %swap3A_320 = arith.index_cast %swap3A_319 : i32 to index
    %swap3A_321 = arith.constant 112 : index
    %swap3A_322 = tpu.vector_load %arg5[%swap3A_320, %swap3A_321] {strides = array<i32>} : memref<16x128xf32, #tpu.memory_space<vmem>>, vector<16xf32>,
    tpu.vector_store %arg5[%swap3A_320, %swap3A_321], %broadcast_in_dim3A_35 {strides = array<i32>} : memref<16x128xf32, #tpu.memory_space<vmem>>, vector<16xf32>,
    %swap3A_323 = arith.constant 9 : i32
    %swap3A_324 = arith.index_cast %swap3A_323 : i32 to index
    %swap3A_325 = arith.constant 0 : index
    %swap3A_326 = tpu.vector_load %arg5[%swap3A_324, %swap3A_325] {strides = array<i32>} : memref<16x128xf32, #tpu.memory_space<vmem>>, vector<16xf32>,
    tpu.vector_store %arg5[%swap3A_324, %swap3A_325], %broadcast_in_dim3A_35 {strides = array<i32>} : memref<16x128xf32, #tpu.memory_space<vmem>>, vector<16xf32>,
    %swap3A_327 = arith.constant 9 : i32
    %swap3A_328 = arith.index_cast %swap3A_327 : i32 to index
    %swap3A_329 = arith.constant 16 : index
    %swap3A_330 = tpu.vector_load %arg5[%swap3A_328, %swap3A_329] {strides = array<i32>} : memref<16x128xf32, #tpu.memory_space<vmem>>, vector<16xf32>,
    tpu.vector_store %arg5[%swap3A_328, %swap3A_329], %broadcast_in_dim3A_35 {strides = array<i32>} : memref<16x128xf32, #tpu.memory_space<vmem>>, vector<16xf32>,
    %swap3A_331 = arith.constant 9 : i32
    %swap3A_332 = arith.index_cast %swap3A_331 : i32 to index
    %swap3A_333 = arith.constant 32 : index
    %swap3A_334 = tpu.vector_load %arg5[%swap3A_332, %swap3A_333] {strides = array<i32>} : memref<16x128xf32, #tpu.memory_space<vmem>>, vector<16xf32>,
    tpu.vector_store %arg5[%swap3A_332, %swap3A_333], %broadcast_in_dim3A_35 {strides = array<i32>} : memref<16x128xf32, #tpu.memory_space<vmem>>, vector<16xf32>,
    %swap3A_335 = arith.constant 9 : i32
    %swap3A_336 = arith.index_cast %swap3A_335 : i32 to index
    %swap3A_337 = arith.constant 48 : index
    %swap3A_338 = tpu.vector_load %arg5[%swap3A_336, %swap3A_337] {strides = array<i32>} : memref<16x128xf32, #tpu.memory_space<vmem>>, vector<16xf32>,
    tpu.vector_store %arg5[%swap3A_336, %swap3A_337], %broadcast_in_dim3A_35 {strides = array<i32>} : memref<16x128xf32, #tpu.memory_space<vmem>>, vector<16xf32>,
    %swap3A_339 = arith.constant 9 : i32
    %swap3A_340 = arith.index_cast %swap3A_339 : i32 to index
    %swap3A_341 = arith.constant 64 : index
    %swap3A_342 = tpu.vector_load %arg5[%swap3A_340, %swap3A_341] {strides = array<i32>} : memref<16x128xf32, #tpu.memory_space<vmem>>, vector<16xf32>,
    tpu.vector_store %arg5[%swap3A_340, %swap3A_341], %broadcast_in_dim3A_35 {strides = array<i32>} : memref<16x128xf32, #tpu.memory_space<vmem>>, vector<16xf32>,
    %swap3A_343 = arith.constant 9 : i32
    %swap3A_344 = arith.index_cast %swap3A_343 : i32 to index
    %swap3A_345 = arith.constant 80 : index
    %swap3A_346 = tpu.vector_load %arg5[%swap3A_344, %swap3A_345] {strides = array<i32>} : memref<16x128xf32, #tpu.memory_space<vmem>>, vector<16xf32>,
    tpu.vector_store %arg5[%swap3A_344, %swap3A_345], %broadcast_in_dim3A_35 {strides = array<i32>} : memref<16x128xf32, #tpu.memory_space<vmem>>, vector<16xf32>,
    %swap3A_347 = arith.constant 9 : i32
    %swap3A_348 = arith.index_cast %swap3A_347 : i32 to index
    %swap3A_349 = arith.constant 96 : index
    %swap3A_350 = tpu.vector_load %arg5[%swap3A_348, %swap3A_349] {strides = array<i32>} : memref<16x128xf32, #tpu.memory_space<vmem>>, vector<16xf32>,
    tpu.vector_store %arg5[%swap3A_348, %swap3A_349], %broadcast_in_dim3A_35 {strides = array<i32>} : memref<16x128xf32, #tpu.memory_space<vmem>>, vector<16xf32>,
    %swap3A_351 = arith.constant 9 : i32
    %swap3A_352 = arith.index_cast %swap3A_351 : i32 to index
    %swap3A_353 = arith.constant 112 : index
    %swap3A_354 = tpu.vector_load %arg5[%swap3A_352, %swap3A_353] {strides = array<i32>} : memref<16x128xf32, #tpu.memory_space<vmem>>, vector<16xf32>,
    tpu.vector_store %arg5[%swap3A_352, %swap3A_353], %broadcast_in_dim3A_35 {strides = array<i32>} : memref<16x128xf32, #tpu.memory_space<vmem>>, vector<16xf32>,
    %swap3A_355 = arith.constant 10 : i32
    %swap3A_356 = arith.index_cast %swap3A_355 : i32 to index
    %swap3A_357 = arith.constant 0 : index
    %swap3A_358 = tpu.vector_load %arg5[%swap3A_356, %swap3A_357] {strides = array<i32>} : memref<16x128xf32, #tpu.memory_space<vmem>>, vector<16xf32>,
    tpu.vector_store %arg5[%swap3A_356, %swap3A_357], %broadcast_in_dim3A_35 {strides = array<i32>} : memref<16x128xf32, #tpu.memory_space<vmem>>, vector<16xf32>,
    %swap3A_359 = arith.constant 10 : i32
    %swap3A_360 = arith.index_cast %swap3A_359 : i32 to index
    %swap3A_361 = arith.constant 16 : index
    %swap3A_362 = tpu.vector_load %arg5[%swap3A_360, %swap3A_361] {strides = array<i32>} : memref<16x128xf32, #tpu.memory_space<vmem>>, vector<16xf32>,
    tpu.vector_store %arg5[%swap3A_360, %swap3A_361], %broadcast_in_dim3A_35 {strides = array<i32>} : memref<16x128xf32, #tpu.memory_space<vmem>>, vector<16xf32>,
    %swap3A_363 = arith.constant 10 : i32
    %swap3A_364 = arith.index_cast %swap3A_363 : i32 to index
    %swap3A_365 = arith.constant 32 : index
    %swap3A_366 = tpu.vector_load %arg5[%swap3A_364, %swap3A_365] {strides = array<i32>} : memref<16x128xf32, #tpu.memory_space<vmem>>, vector<16xf32>,
    tpu.vector_store %arg5[%swap3A_364, %swap3A_365], %broadcast_in_dim3A_35 {strides = array<i32>} : memref<16x128xf32, #tpu.memory_space<vmem>>, vector<16xf32>,
    %swap3A_367 = arith.constant 10 : i32
    %swap3A_368 = arith.index_cast %swap3A_367 : i32 to index
    %swap3A_369 = arith.constant 48 : index
    %swap3A_370 = tpu.vector_load %arg5[%swap3A_368, %swap3A_369] {strides = array<i32>} : memref<16x128xf32, #tpu.memory_space<vmem>>, vector<16xf32>,
    tpu.vector_store %arg5[%swap3A_368, %swap3A_369], %broadcast_in_dim3A_35 {strides = array<i32>} : memref<16x128xf32, #tpu.memory_space<vmem>>, vector<16xf32>,
    %swap3A_371 = arith.constant 10 : i32
    %swap3A_372 = arith.index_cast %swap3A_371 : i32 to index
    %swap3A_373 = arith.constant 64 : index
    %swap3A_374 = tpu.vector_load %arg5[%swap3A_372, %swap3A_373] {strides = array<i32>} : memref<16x128xf32, #tpu.memory_space<vmem>>, vector<16xf32>,
    tpu.vector_store %arg5[%swap3A_372, %swap3A_373], %broadcast_in_dim3A_35 {strides = array<i32>} : memref<16x128xf32, #tpu.memory_space<vmem>>, vector<16xf32>,
    %swap3A_375 = arith.constant 10 : i32
    %swap3A_376 = arith.index_cast %swap3A_375 : i32 to index
    %swap3A_377 = arith.constant 80 : index
    %swap3A_378 = tpu.vector_load %arg5[%swap3A_376, %swap3A_377] {strides = array<i32>} : memref<16x128xf32, #tpu.memory_space<vmem>>, vector<16xf32>,
    tpu.vector_store %arg5[%swap3A_376, %swap3A_377], %broadcast_in_dim3A_35 {strides = array<i32>} : memref<16x128xf32, #tpu.memory_space<vmem>>, vector<16xf32>,
    %swap3A_379 = arith.constant 10 : i32
    %swap3A_380 = arith.index_cast %swap3A_379 : i32 to index
    %swap3A_381 = arith.constant 96 : index
    %swap3A_382 = tpu.vector_load %arg5[%swap3A_380, %swap3A_381] {strides = array<i32>} : memref<16x128xf32, #tpu.memory_space<vmem>>, vector<16xf32>,
    tpu.vector_store %arg5[%swap3A_380, %swap3A_381], %broadcast_in_dim3A_35 {strides = array<i32>} : memref<16x128xf32, #tpu.memory_space<vmem>>, vector<16xf32>,
    %swap3A_383 = arith.constant 10 : i32
    %swap3A_384 = arith.index_cast %swap3A_383 : i32 to index
    %swap3A_385 = arith.constant 112 : index
    %swap3A_386 = tpu.vector_load %arg5[%swap3A_384, %swap3A_385] {strides = array<i32>} : memref<16x128xf32, #tpu.memory_space<vmem>>, vector<16xf32>,
    tpu.vector_store %arg5[%swap3A_384, %swap3A_385], %broadcast_in_dim3A_35 {strides = array<i32>} : memref<16x128xf32, #tpu.memory_space<vmem>>, vector<16xf32>,
    %swap3A_387 = arith.constant 11 : i32
    %swap3A_388 = arith.index_cast %swap3A_387 : i32 to index
    %swap3A_389 = arith.constant 0 : index
    %swap3A_390 = tpu.vector_load %arg5[%swap3A_388, %swap3A_389] {strides = array<i32>} : memref<16x128xf32, #tpu.memory_space<vmem>>, vector<16xf32>,
    tpu.vector_store %arg5[%swap3A_388, %swap3A_389], %broadcast_in_dim3A_35 {strides = array<i32>} : memref<16x128xf32, #tpu.memory_space<vmem>>, vector<16xf32>,
    %swap3A_391 = arith.constant 11 : i32
    %swap3A_392 = arith.index_cast %swap3A_391 : i32 to index
    %swap3A_393 = arith.constant 16 : index
    %swap3A_394 = tpu.vector_load %arg5[%swap3A_392, %swap3A_393] {strides = array<i32>} : memref<16x128xf32, #tpu.memory_space<vmem>>, vector<16xf32>,
    tpu.vector_store %arg5[%swap3A_392, %swap3A_393], %broadcast_in_dim3A_35 {strides = array<i32>} : memref<16x128xf32, #tpu.memory_space<vmem>>, vector<16xf32>,
    %swap3A_395 = arith.constant 11 : i32
    %swap3A_396 = arith.index_cast %swap3A_395 : i32 to index
    %swap3A_397 = arith.constant 32 : index
    %swap3A_398 = tpu.vector_load %arg5[%swap3A_396, %swap3A_397] {strides = array<i32>} : memref<16x128xf32, #tpu.memory_space<vmem>>, vector<16xf32>,
    tpu.vector_store %arg5[%swap3A_396, %swap3A_397], %broadcast_in_dim3A_35 {strides = array<i32>} : memref<16x128xf32, #tpu.memory_space<vmem>>, vector<16xf32>,
    %swap3A_399 = arith.constant 11 : i32
    %swap3A_400 = arith.index_cast %swap3A_399 : i32 to index
    %swap3A_401 = arith.constant 48 : index
    %swap3A_402 = tpu.vector_load %arg5[%swap3A_400, %swap3A_401] {strides = array<i32>} : memref<16x128xf32, #tpu.memory_space<vmem>>, vector<16xf32>,
    tpu.vector_store %arg5[%swap3A_400, %swap3A_401], %broadcast_in_dim3A_35 {strides = array<i32>} : memref<16x128xf32, #tpu.memory_space<vmem>>, vector<16xf32>,
    %swap3A_403 = arith.constant 11 : i32
    %swap3A_404 = arith.index_cast %swap3A_403 : i32 to index
    %swap3A_405 = arith.constant 64 : index
    %swap3A_406 = tpu.vector_load %arg5[%swap3A_404, %swap3A_405] {strides = array<i32>} : memref<16x128xf32, #tpu.memory_space<vmem>>, vector<16xf32>,
    tpu.vector_store %arg5[%swap3A_404, %swap3A_405], %broadcast_in_dim3A_35 {strides = array<i32>} : memref<16x128xf32, #tpu.memory_space<vmem>>, vector<16xf32>,
    %swap3A_407 = arith.constant 11 : i32
    %swap3A_408 = arith.index_cast %swap3A_407 : i32 to index
    %swap3A_409 = arith.constant 80 : index
    %swap3A_410 = tpu.vector_load %arg5[%swap3A_408, %swap3A_409] {strides = array<i32>} : memref<16x128xf32, #tpu.memory_space<vmem>>, vector<16xf32>,
    tpu.vector_store %arg5[%swap3A_408, %swap3A_409], %broadcast_in_dim3A_35 {strides = array<i32>} : memref<16x128xf32, #tpu.memory_space<vmem>>, vector<16xf32>,
    %swap3A_411 = arith.constant 11 : i32
    %swap3A_412 = arith.index_cast %swap3A_411 : i32 to index
    %swap3A_413 = arith.constant 96 : index
    %swap3A_414 = tpu.vector_load %arg5[%swap3A_412, %swap3A_413] {strides = array<i32>} : memref<16x128xf32, #tpu.memory_space<vmem>>, vector<16xf32>,
    tpu.vector_store %arg5[%swap3A_412, %swap3A_413], %broadcast_in_dim3A_35 {strides = array<i32>} : memref<16x128xf32, #tpu.memory_space<vmem>>, vector<16xf32>,
    %swap3A_415 = arith.constant 11 : i32
    %swap3A_416 = arith.index_cast %swap3A_415 : i32 to index
    %swap3A_417 = arith.constant 112 : index
    %swap3A_418 = tpu.vector_load %arg5[%swap3A_416, %swap3A_417] {strides = array<i32>} : memref<16x128xf32, #tpu.memory_space<vmem>>, vector<16xf32>,
    tpu.vector_store %arg5[%swap3A_416, %swap3A_417], %broadcast_in_dim3A_35 {strides = array<i32>} : memref<16x128xf32, #tpu.memory_space<vmem>>, vector<16xf32>,
    %swap3A_419 = arith.constant 12 : i32
    %swap3A_420 = arith.index_cast %swap3A_419 : i32 to index
    %swap3A_421 = arith.constant 0 : index
    %swap3A_422 = tpu.vector_load %arg5[%swap3A_420, %swap3A_421] {strides = array<i32>} : memref<16x128xf32, #tpu.memory_space<vmem>>, vector<16xf32>,
    tpu.vector_store %arg5[%swap3A_420, %swap3A_421], %broadcast_in_dim3A_35 {strides = array<i32>} : memref<16x128xf32, #tpu.memory_space<vmem>>, vector<16xf32>,
    %swap3A_423 = arith.constant 12 : i32
    %swap3A_424 = arith.index_cast %swap3A_423 : i32 to index
    %swap3A_425 = arith.constant 16 : index
    %swap3A_426 = tpu.vector_load %arg5[%swap3A_424, %swap3A_425] {strides = array<i32>} : memref<16x128xf32, #tpu.memory_space<vmem>>, vector<16xf32>,
    tpu.vector_store %arg5[%swap3A_424, %swap3A_425], %broadcast_in_dim3A_35 {strides = array<i32>} : memref<16x128xf32, #tpu.memory_space<vmem>>, vector<16xf32>,
    %swap3A_427 = arith.constant 12 : i32
    %swap3A_428 = arith.index_cast %swap3A_427 : i32 to index
    %swap3A_429 = arith.constant 32 : index
    %swap3A_430 = tpu.vector_load %arg5[%swap3A_428, %swap3A_429] {strides = array<i32>} : memref<16x128xf32, #tpu.memory_space<vmem>>, vector<16xf32>,
    tpu.vector_store %arg5[%swap3A_428, %swap3A_429], %broadcast_in_dim3A_35 {strides = array<i32>} : memref<16x128xf32, #tpu.memory_space<vmem>>, vector<16xf32>,
    %swap3A_431 = arith.constant 12 : i32
    %swap3A_432 = arith.index_cast %swap3A_431 : i32 to index
    %swap3A_433 = arith.constant 48 : index
    %swap3A_434 = tpu.vector_load %arg5[%swap3A_432, %swap3A_433] {strides = array<i32>} : memref<16x128xf32, #tpu.memory_space<vmem>>, vector<16xf32>,
    tpu.vector_store %arg5[%swap3A_432, %swap3A_433], %broadcast_in_dim3A_35 {strides = array<i32>} : memref<16x128xf32, #tpu.memory_space<vmem>>, vector<16xf32>,
    %swap3A_435 = arith.constant 12 : i32
    %swap3A_436 = arith.index_cast %swap3A_435 : i32 to index
    %swap3A_437 = arith.constant 64 : index
    %swap3A_438 = tpu.vector_load %arg5[%swap3A_436, %swap3A_437] {strides = array<i32>} : memref<16x128xf32, #tpu.memory_space<vmem>>, vector<16xf32>,
    tpu.vector_store %arg5[%swap3A_436, %swap3A_437], %broadcast_in_dim3A_35 {strides = array<i32>} : memref<16x128xf32, #tpu.memory_space<vmem>>, vector<16xf32>,
    %swap3A_439 = arith.constant 12 : i32
    %swap3A_440 = arith.index_cast %swap3A_439 : i32 to index
    %swap3A_441 = arith.constant 80 : index
    %swap3A_442 = tpu.vector_load %arg5[%swap3A_440, %swap3A_441] {strides = array<i32>} : memref<16x128xf32, #tpu.memory_space<vmem>>, vector<16xf32>,
    tpu.vector_store %arg5[%swap3A_440, %swap3A_441], %broadcast_in_dim3A_35 {strides = array<i32>} : memref<16x128xf32, #tpu.memory_space<vmem>>, vector<16xf32>,
    %swap3A_443 = arith.constant 12 : i32
    %swap3A_444 = arith.index_cast %swap3A_443 : i32 to index
    %swap3A_445 = arith.constant 96 : index
    %swap3A_446 = tpu.vector_load %arg5[%swap3A_444, %swap3A_445] {strides = array<i32>} : memref<16x128xf32, #tpu.memory_space<vmem>>, vector<16xf32>,
    tpu.vector_store %arg5[%swap3A_444, %swap3A_445], %broadcast_in_dim3A_35 {strides = array<i32>} : memref<16x128xf32, #tpu.memory_space<vmem>>, vector<16xf32>,
    %swap3A_447 = arith.constant 12 : i32
    %swap3A_448 = arith.index_cast %swap3A_447 : i32 to index
    %swap3A_449 = arith.constant 112 : index
    %swap3A_450 = tpu.vector_load %arg5[%swap3A_448, %swap3A_449] {strides = array<i32>} : memref<16x128xf32, #tpu.memory_space<vmem>>, vector<16xf32>,
    tpu.vector_store %arg5[%swap3A_448, %swap3A_449], %broadcast_in_dim3A_35 {strides = array<i32>} : memref<16x128xf32, #tpu.memory_space<vmem>>, vector<16xf32>,
    %swap3A_451 = arith.constant 13 : i32
    %swap3A_452 = arith.index_cast %swap3A_451 : i32 to index
    %swap3A_453 = arith.constant 0 : index
    %swap3A_454 = tpu.vector_load %arg5[%swap3A_452, %swap3A_453] {strides = array<i32>} : memref<16x128xf32, #tpu.memory_space<vmem>>, vector<16xf32>,
    tpu.vector_store %arg5[%swap3A_452, %swap3A_453], %broadcast_in_dim3A_35 {strides = array<i32>} : memref<16x128xf32, #tpu.memory_space<vmem>>, vector<16xf32>,
    %swap3A_455 = arith.constant 13 : i32
    %swap3A_456 = arith.index_cast %swap3A_455 : i32 to index
    %swap3A_457 = arith.constant 16 : index
    %swap3A_458 = tpu.vector_load %arg5[%swap3A_456, %swap3A_457] {strides = array<i32>} : memref<16x128xf32, #tpu.memory_space<vmem>>, vector<16xf32>,
    tpu.vector_store %arg5[%swap3A_456, %swap3A_457], %broadcast_in_dim3A_35 {strides = array<i32>} : memref<16x128xf32, #tpu.memory_space<vmem>>, vector<16xf32>,
    %swap3A_459 = arith.constant 13 : i32
    %swap3A_460 = arith.index_cast %swap3A_459 : i32 to index
    %swap3A_461 = arith.constant 32 : index
    %swap3A_462 = tpu.vector_load %arg5[%swap3A_460, %swap3A_461] {strides = array<i32>} : memref<16x128xf32, #tpu.memory_space<vmem>>, vector<16xf32>,
    tpu.vector_store %arg5[%swap3A_460, %swap3A_461], %broadcast_in_dim3A_35 {strides = array<i32>} : memref<16x128xf32, #tpu.memory_space<vmem>>, vector<16xf32>,
    %swap3A_463 = arith.constant 13 : i32
    %swap3A_464 = arith.index_cast %swap3A_463 : i32 to index
    %swap3A_465 = arith.constant 48 : index
    %swap3A_466 = tpu.vector_load %arg5[%swap3A_464, %swap3A_465] {strides = array<i32>} : memref<16x128xf32, #tpu.memory_space<vmem>>, vector<16xf32>,
    tpu.vector_store %arg5[%swap3A_464, %swap3A_465], %broadcast_in_dim3A_35 {strides = array<i32>} : memref<16x128xf32, #tpu.memory_space<vmem>>, vector<16xf32>,
    %swap3A_467 = arith.constant 13 : i32
    %swap3A_468 = arith.index_cast %swap3A_467 : i32 to index
    %swap3A_469 = arith.constant 64 : index
    %swap3A_470 = tpu.vector_load %arg5[%swap3A_468, %swap3A_469] {strides = array<i32>} : memref<16x128xf32, #tpu.memory_space<vmem>>, vector<16xf32>,
    tpu.vector_store %arg5[%swap3A_468, %swap3A_469], %broadcast_in_dim3A_35 {strides = array<i32>} : memref<16x128xf32, #tpu.memory_space<vmem>>, vector<16xf32>,
    %swap3A_471 = arith.constant 13 : i32
    %swap3A_472 = arith.index_cast %swap3A_471 : i32 to index
    %swap3A_473 = arith.constant 80 : index
    %swap3A_474 = tpu.vector_load %arg5[%swap3A_472, %swap3A_473] {strides = array<i32>} : memref<16x128xf32, #tpu.memory_space<vmem>>, vector<16xf32>,
    tpu.vector_store %arg5[%swap3A_472, %swap3A_473], %broadcast_in_dim3A_35 {strides = array<i32>} : memref<16x128xf32, #tpu.memory_space<vmem>>, vector<16xf32>,
    %swap3A_475 = arith.constant 13 : i32
    %swap3A_476 = arith.index_cast %swap3A_475 : i32 to index
    %swap3A_477 = arith.constant 96 : index
    %swap3A_478 = tpu.vector_load %arg5[%swap3A_476, %swap3A_477] {strides = array<i32>} : memref<16x128xf32, #tpu.memory_space<vmem>>, vector<16xf32>,
    tpu.vector_store %arg5[%swap3A_476, %swap3A_477], %broadcast_in_dim3A_35 {strides = array<i32>} : memref<16x128xf32, #tpu.memory_space<vmem>>, vector<16xf32>,
    %swap3A_479 = arith.constant 13 : i32
    %swap3A_480 = arith.index_cast %swap3A_479 : i32 to index
    %swap3A_481 = arith.constant 112 : index
    %swap3A_482 = tpu.vector_load %arg5[%swap3A_480, %swap3A_481] {strides = array<i32>} : memref<16x128xf32, #tpu.memory_space<vmem>>, vector<16xf32>,
    tpu.vector_store %arg5[%swap3A_480, %swap3A_481], %broadcast_in_dim3A_35 {strides = array<i32>} : memref<16x128xf32, #tpu.memory_space<vmem>>, vector<16xf32>,
    %swap3A_483 = arith.constant 14 : i32
    %swap3A_484 = arith.index_cast %swap3A_483 : i32 to index
    %swap3A_485 = arith.constant 0 : index
    %swap3A_486 = tpu.vector_load %arg5[%swap3A_484, %swap3A_485] {strides = array<i32>} : memref<16x128xf32, #tpu.memory_space<vmem>>, vector<16xf32>,
    tpu.vector_store %arg5[%swap3A_484, %swap3A_485], %broadcast_in_dim3A_35 {strides = array<i32>} : memref<16x128xf32, #tpu.memory_space<vmem>>, vector<16xf32>,
    %swap3A_487 = arith.constant 14 : i32
    %swap3A_488 = arith.index_cast %swap3A_487 : i32 to index
    %swap3A_489 = arith.constant 16 : index
    %swap3A_490 = tpu.vector_load %arg5[%swap3A_488, %swap3A_489] {strides = array<i32>} : memref<16x128xf32, #tpu.memory_space<vmem>>, vector<16xf32>,
    tpu.vector_store %arg5[%swap3A_488, %swap3A_489], %broadcast_in_dim3A_35 {strides = array<i32>} : memref<16x128xf32, #tpu.memory_space<vmem>>, vector<16xf32>,
    %swap3A_491 = arith.constant 14 : i32
    %swap3A_492 = arith.index_cast %swap3A_491 : i32 to index
    %swap3A_493 = arith.constant 32 : index
    %swap3A_494 = tpu.vector_load %arg5[%swap3A_492, %swap3A_493] {strides = array<i32>} : memref<16x128xf32, #tpu.memory_space<vmem>>, vector<16xf32>,
    tpu.vector_store %arg5[%swap3A_492, %swap3A_493], %broadcast_in_dim3A_35 {strides = array<i32>} : memref<16x128xf32, #tpu.memory_space<vmem>>, vector<16xf32>,
    %swap3A_495 = arith.constant 14 : i32
    %swap3A_496 = arith.index_cast %swap3A_495 : i32 to index
    %swap3A_497 = arith.constant 48 : index
    %swap3A_498 = tpu.vector_load %arg5[%swap3A_496, %swap3A_497] {strides = array<i32>} : memref<16x128xf32, #tpu.memory_space<vmem>>, vector<16xf32>,
    tpu.vector_store %arg5[%swap3A_496, %swap3A_497], %broadcast_in_dim3A_35 {strides = array<i32>} : memref<16x128xf32, #tpu.memory_space<vmem>>, vector<16xf32>,
    %swap3A_499 = arith.constant 14 : i32
    %swap3A_500 = arith.index_cast %swap3A_499 : i32 to index
    %swap3A_501 = arith.constant 64 : index
    %swap3A_502 = tpu.vector_load %arg5[%swap3A_500, %swap3A_501] {strides = array<i32>} : memref<16x128xf32, #tpu.memory_space<vmem>>, vector<16xf32>,
    tpu.vector_store %arg5[%swap3A_500, %swap3A_501], %broadcast_in_dim3A_35 {strides = array<i32>} : memref<16x128xf32, #tpu.memory_space<vmem>>, vector<16xf32>,
    %swap3A_503 = arith.constant 14 : i32
    %swap3A_504 = arith.index_cast %swap3A_503 : i32 to index
    %swap3A_505 = arith.constant 80 : index
    %swap3A_506 = tpu.vector_load %arg5[%swap3A_504, %swap3A_505] {strides = array<i32>} : memref<16x128xf32, #tpu.memory_space<vmem>>, vector<16xf32>,
    tpu.vector_store %arg5[%swap3A_504, %swap3A_505], %broadcast_in_dim3A_35 {strides = array<i32>} : memref<16x128xf32, #tpu.memory_space<vmem>>, vector<16xf32>,
    %swap3A_507 = arith.constant 14 : i32
    %swap3A_508 = arith.index_cast %swap3A_507 : i32 to index
    %swap3A_509 = arith.constant 96 : index
    %swap3A_510 = tpu.vector_load %arg5[%swap3A_508, %swap3A_509] {strides = array<i32>} : memref<16x128xf32, #tpu.memory_space<vmem>>, vector<16xf32>,
    tpu.vector_store %arg5[%swap3A_508, %swap3A_509], %broadcast_in_dim3A_35 {strides = array<i32>} : memref<16x128xf32, #tpu.memory_space<vmem>>, vector<16xf32>,
    %swap3A_511 = arith.constant 14 : i32
    %swap3A_512 = arith.index_cast %swap3A_511 : i32 to index
    %swap3A_513 = arith.constant 112 : index
    %swap3A_514 = tpu.vector_load %arg5[%swap3A_512, %swap3A_513] {strides = array<i32>} : memref<16x128xf32, #tpu.memory_space<vmem>>, vector<16xf32>,
    tpu.vector_store %arg5[%swap3A_512, %swap3A_513], %broadcast_in_dim3A_35 {strides = array<i32>} : memref<16x128xf32, #tpu.memory_space<vmem>>, vector<16xf32>,
    %swap3A_515 = arith.constant 15 : i32
    %swap3A_516 = arith.index_cast %swap3A_515 : i32 to index
    %swap3A_517 = arith.constant 0 : index
    %swap3A_518 = tpu.vector_load %arg5[%swap3A_516, %swap3A_517] {strides = array<i32>} : memref<16x128xf32, #tpu.memory_space<vmem>>, vector<16xf32>,
    tpu.vector_store %arg5[%swap3A_516, %swap3A_517], %broadcast_in_dim3A_35 {strides = array<i32>} : memref<16x128xf32, #tpu.memory_space<vmem>>, vector<16xf32>,
    %swap3A_519 = arith.constant 15 : i32
    %swap3A_520 = arith.index_cast %swap3A_519 : i32 to index
    %swap3A_521 = arith.constant 16 : index
    %swap3A_522 = tpu.vector_load %arg5[%swap3A_520, %swap3A_521] {strides = array<i32>} : memref<16x128xf32, #tpu.memory_space<vmem>>, vector<16xf32>,
    tpu.vector_store %arg5[%swap3A_520, %swap3A_521], %broadcast_in_dim3A_35 {strides = array<i32>} : memref<16x128xf32, #tpu.memory_space<vmem>>, vector<16xf32>,
    %swap3A_523 = arith.constant 15 : i32
    %swap3A_524 = arith.index_cast %swap3A_523 : i32 to index
    %swap3A_525 = arith.constant 32 : index
    %swap3A_526 = tpu.vector_load %arg5[%swap3A_524, %swap3A_525] {strides = array<i32>} : memref<16x128xf32, #tpu.memory_space<vmem>>, vector<16xf32>,
    tpu.vector_store %arg5[%swap3A_524, %swap3A_525], %broadcast_in_dim3A_35 {strides = array<i32>} : memref<16x128xf32, #tpu.memory_space<vmem>>, vector<16xf32>,
    %swap3A_527 = arith.constant 15 : i32
    %swap3A_528 = arith.index_cast %swap3A_527 : i32 to index
    %swap3A_529 = arith.constant 48 : index
    %swap3A_530 = tpu.vector_load %arg5[%swap3A_528, %swap3A_529] {strides = array<i32>} : memref<16x128xf32, #tpu.memory_space<vmem>>, vector<16xf32>,
    tpu.vector_store %arg5[%swap3A_528, %swap3A_529], %broadcast_in_dim3A_35 {strides = array<i32>} : memref<16x128xf32, #tpu.memory_space<vmem>>, vector<16xf32>,
    %swap3A_531 = arith.constant 15 : i32
    %swap3A_532 = arith.index_cast %swap3A_531 : i32 to index
    %swap3A_533 = arith.constant 64 : index
    %swap3A_534 = tpu.vector_load %arg5[%swap3A_532, %swap3A_533] {strides = array<i32>} : memref<16x128xf32, #tpu.memory_space<vmem>>, vector<16xf32>,
    tpu.vector_store %arg5[%swap3A_532, %swap3A_533], %broadcast_in_dim3A_35 {strides = array<i32>} : memref<16x128xf32, #tpu.memory_space<vmem>>, vector<16xf32>,
    %swap3A_535 = arith.constant 15 : i32
    %swap3A_536 = arith.index_cast %swap3A_535 : i32 to index
    %swap3A_537 = arith.constant 80 : index
    %swap3A_538 = tpu.vector_load %arg5[%swap3A_536, %swap3A_537] {strides = array<i32>} : memref<16x128xf32, #tpu.memory_space<vmem>>, vector<16xf32>,
    tpu.vector_store %arg5[%swap3A_536, %swap3A_537], %broadcast_in_dim3A_35 {strides = array<i32>} : memref<16x128xf32, #tpu.memory_space<vmem>>, vector<16xf32>,
    %swap3A_539 = arith.constant 15 : i32
    %swap3A_540 = arith.index_cast %swap3A_539 : i32 to index
    %swap3A_541 = arith.constant 96 : index
    %swap3A_542 = tpu.vector_load %arg5[%swap3A_540, %swap3A_541] {strides = array<i32>} : memref<16x128xf32, #tpu.memory_space<vmem>>, vector<16xf32>,
    tpu.vector_store %arg5[%swap3A_540, %swap3A_541], %broadcast_in_dim3A_35 {strides = array<i32>} : memref<16x128xf32, #tpu.memory_space<vmem>>, vector<16xf32>,
    %swap3A_543 = arith.constant 15 : i32
    %swap3A_544 = arith.index_cast %swap3A_543 : i32 to index
    %swap3A_545 = arith.constant 112 : index
    %swap3A_546 = tpu.vector_load %arg5[%swap3A_544, %swap3A_545] {strides = array<i32>} : memref<16x128xf32, #tpu.memory_space<vmem>>, vector<16xf32>,
    tpu.vector_store %arg5[%swap3A_544, %swap3A_545], %broadcast_in_dim3A_35 {strides = array<i32>} : memref<16x128xf32, #tpu.memory_space<vmem>>, vector<16xf32>,
    "tpu.region"() ({
      %run_scoped3A = tpu.sem_alloc : memref<!tpu.dma_semaphore, #tpu.memory_space<semaphore_mem>>
      tpu.enqueue_dma source(%arg2 : memref<2x3200xi32, #tpu.memory_space<hbm>>) target(%arg4 : memref<2x3200xi32, #tpu.memory_space<vmem>>) target_semaphore(%run_scoped3A : memref<!tpu.dma_semaphore, #tpu.memory_space<semaphore_mem>>)
      tpu.wait_dma2 semaphore(%run_scoped3A : memref<!tpu.dma_semaphore, #tpu.memory_space<semaphore_mem>>) src(%arg2 : memref<2x3200xi32, #tpu.memory_space<hbm>>) dst(%arg4 : memref<2x3200xi32, #tpu.memory_space<vmem>>)
      tpu.yield
    }) : () -> ()
    %broadcast_in_dim3A_547 = arith.constant 1.000000e+00 : f32
    %broadcast_in_dim3A_548 = vector.broadcast %broadcast_in_dim3A_547 : f32 to vector<16xf32>
    %scan3A = arith.constant 0 : i32
    %scan3A_549 = arith.constant 0 : i32
    %scan3A_550 = arith.constant 50 : i32
    %scan3A_551 = arith.addi %scan3A_549, %scan3A_550 : i32
    %scan3A_552 = arith.constant 1 : i32
    scf.for %scan3A_557 = %scan3A_549 to %scan3A_551 step %scan3A_552  : i32 {
      %mul3A_558 = arith.constant 16 : i32
      %mul3A_559 = arith.muli %scan3A_557, %mul3A_558 : i32
      %add3A_560 = arith.addi %mul3A_34, %mul3A_559 : i32
      %get3A = arith.constant 0 : i32
      %get3A_561 = arith.index_cast %get3A : i32 to index
      %get3A_562 = arith.index_cast %add3A_560 : i32 to index
      %get3A_563 = tpu.vector_load %arg4[%get3A_561, %get3A_562] {strides = array<i32>} : memref<2x3200xi32, #tpu.memory_space<vmem>>, vector<16xi32>,
      %mul3A_564 = arith.constant 16 : i32
      %mul3A_565 = arith.muli %scan3A_557, %mul3A_564 : i32
      %add3A_566 = arith.addi %mul3A_34, %mul3A_565 : i32
      %get3A_567 = arith.constant 1 : i32
      %get3A_568 = arith.index_cast %get3A_567 : i32 to index
      %get3A_569 = arith.index_cast %add3A_566 : i32 to index
      %get3A_570 = tpu.vector_load %arg4[%get3A_568, %get3A_569] {strides = array<i32>} : memref<2x3200xi32, #tpu.memory_space<vmem>>, vector<16xi32>,
      %sub3A_571 = vector.broadcast %mul3A_32 : i32 to vector<16xi32>
      %sub3A_572 = arith.subi %get3A_570, %sub3A_571 : vector<16xi32>
      %ge3A = arith.constant 0 : i32
      %ge3A_573 = vector.broadcast %ge3A : i32 to vector<16xi32>
      %ge3A_574 = arith.cmpi sge, %sub3A_572, %ge3A_573 : vector<16xi32>
      %lt3A_575 = arith.constant 16 : i32
      %lt3A_576 = vector.broadcast %lt3A_575 : i32 to vector<16xi32>
      %lt3A_577 = arith.cmpi slt, %sub3A_572, %lt3A_576 : vector<16xi32>
      %and3A_578 = arith.andi %ge3A_574, %lt3A_577 : vector<16xi1>
      %jit3A_579 = arith.constant 0 : i32
      %broadcast_in_dim3A_580 = vector.broadcast %jit3A_579 : i32 to vector<16xi32>
      %select_n3A_581 = arith.select %and3A_578, %sub3A_572, %broadcast_in_dim3A_580 : vector<16xi1>, vector<16xi32>
      tpu.vector_store_idx %arg5[%select_n3A_581, %get3A_563], %broadcast_in_dim3A_548 masked %and3A_578 {add = true} : memref<16x128xf32, #tpu.memory_space<vmem>>[vector<16xi32>, vector<16xi32>], vector<16xf32>, vector<16xi1>
    }
    %scan3A_553 = arith.constant 50 : i32
    %mul3A_554 = arith.constant 128 : i32
    %mul3A_555 = arith.muli %select_n3A, %mul3A_554 : i32
    %add3A_556 = arith.addi %mul3A_555, %mul3A_32 : i32
    "tpu.region"() ({
      %run_scoped3A = tpu.sem_alloc : memref<!tpu.dma_semaphore, #tpu.memory_space<semaphore_mem>>
      %dma_start3A = arith.constant 0 : i32
      %dma_start3A_557 = tpu.memref_slice %arg3[%add3A_556, %dma_start3A] : memref<512x128xf32, #tpu.memory_space<hbm>> -> memref<16x128xf32, #tpu.memory_space<hbm>>
      %dma_start3A_558 = arith.constant 0 : i32
      %dma_start3A_559 = tpu.memref_slice %arg3[%add3A_556, %dma_start3A_558] : memref<512x128xf32, #tpu.memory_space<hbm>> -> memref<16x128xf32, #tpu.memory_space<hbm>>
      tpu.enqueue_dma source(%arg5 : memref<16x128xf32, #tpu.memory_space<vmem>>) target(%dma_start3A_559 : memref<16x128xf32, #tpu.memory_space<hbm>>) target_semaphore(%run_scoped3A : memref<!tpu.dma_semaphore, #tpu.memory_space<semaphore_mem>>)
      %dma_wait3A = arith.constant 0 : i32
      %dma_wait3A_560 = tpu.memref_slice %arg3[%add3A_556, %dma_wait3A] : memref<512x128xf32, #tpu.memory_space<hbm>> -> memref<16x128xf32, #tpu.memory_space<hbm>>
      %dma_wait3A_561 = arith.constant 0 : i32
      %dma_wait3A_562 = tpu.memref_slice %arg3[%add3A_556, %dma_wait3A_561] : memref<512x128xf32, #tpu.memory_space<hbm>> -> memref<16x128xf32, #tpu.memory_space<hbm>>
      tpu.wait_dma2 semaphore(%run_scoped3A : memref<!tpu.dma_semaphore, #tpu.memory_space<semaphore_mem>>) src(%arg5 : memref<16x128xf32, #tpu.memory_space<vmem>>) dst(%dma_wait3A_562 : memref<16x128xf32, #tpu.memory_space<hbm>>)
      tpu.yield
    }) : () -> ()
    return
  }
}

module attributes {stable_mosaic.version = 14 : i64} {
  func.func @_gcn_dense_kernel(%arg0: memref<512x128xf32, #tpu.memory_space<vmem>>, %arg1: memref<100x128xf32, #tpu.memory_space<vmem>>, %arg2: memref<128x128xf32, #tpu.memory_space<vmem>>, %arg3: memref<128xf32, #tpu.memory_space<vmem>>, %arg4: memref<128x16xf32, #tpu.memory_space<vmem>>, %arg5: memref<16xf32, #tpu.memory_space<vmem>>, %arg6: memref<100x16xf32, #tpu.memory_space<vmem>>) attributes {dimension_semantics = [], scalar_prefetch = 0 : i64, scratch_operands = 0 : i64, tpu.core_type = #tpu.core_type<tc>} {
    %get3A = arith.constant 0 : index
    %get3A_0 = arith.constant 0 : index
    %get3A_1 = vector.load %arg0[%get3A, %get3A_0] : memref<512x128xf32, #tpu.memory_space<vmem>>, vector<128x128xf32>
    %get3A_2 = arith.constant 128 : index
    %get3A_3 = arith.constant 0 : index
    %get3A_4 = vector.load %arg0[%get3A_2, %get3A_3] : memref<512x128xf32, #tpu.memory_space<vmem>>, vector<128x128xf32>
    %add3A = arith.addf %get3A_1, %get3A_4 : vector<128x128xf32>
    %get3A_5 = arith.constant 256 : index
    %get3A_6 = arith.constant 0 : index
    %get3A_7 = vector.load %arg0[%get3A_5, %get3A_6] : memref<512x128xf32, #tpu.memory_space<vmem>>, vector<128x128xf32>
    %add3A_8 = arith.addf %add3A, %get3A_7 : vector<128x128xf32>
    %get3A_9 = arith.constant 384 : index
    %get3A_10 = arith.constant 0 : index
    %get3A_11 = vector.load %arg0[%get3A_9, %get3A_10] : memref<512x128xf32, #tpu.memory_space<vmem>>, vector<128x128xf32>
    %add3A_12 = arith.addf %add3A_8, %get3A_11 : vector<128x128xf32>
    %iota3A = tpu.iota {dimensions = array<i32: 0>} : vector<128x128xi32>
    %iota3A_13 = tpu.iota {dimensions = array<i32: 1>} : vector<128x128xi32>
    %eq3A = arith.cmpi eq, %iota3A, %iota3A_13 : vector<128x128xi32>
    %convert_element_type3A = arith.extui %eq3A : vector<128x128xi1> to vector<128x128xi32>
    %convert_element_type3A_14 = arith.sitofp %convert_element_type3A : vector<128x128xi32> to vector<128x128xf32>
    %reduce_sum3A = arith.constant dense<0.000000e+00> : vector<128xf32>
    %reduce_sum3A_15 = vector.multi_reduction <add>, %add3A_12, %reduce_sum3A [1] : vector<128x128xf32> to vector<128xf32>
    %broadcast_in_dim3A = vector.shape_cast %reduce_sum3A_15 : vector<128xf32> to vector<128x1xf32>
    %add3A_16 = arith.constant 1.000000e+00 : f32
    %add3A_17 = vector.broadcast %add3A_16 : f32 to vector<128x1xf32>
    %add3A_18 = arith.addf %broadcast_in_dim3A, %add3A_17 : vector<128x1xf32>
    %rsqrt3A = math.rsqrt %add3A_18 : vector<128x1xf32>
    %mul3A = vector.broadcast %rsqrt3A : vector<128x1xf32> to vector<128x128xf32>
    %mul3A_19 = arith.mulf %convert_element_type3A_14, %mul3A : vector<128x128xf32>
    %add3A_20 = arith.addf %add3A_12, %convert_element_type3A_14 : vector<128x128xf32>
    %dot_general3A = arith.constant dense<0.000000e+00> : vector<128x128xf32>
    %dot_general3A_21 = tpu.matmul %mul3A_19, %add3A_20, %dot_general3A {dimension_numbers = #tpu.dot_dimension_numbers<[1], [0], [0], [1], [0, 0, 1, 1], [], []>, precision = #tpu.contract_precision<fp32>, transpose_lhs_hint = false} : vector<128x128xf32>, vector<128x128xf32>, vector<128x128xf32> -> vector<128x128xf32>
    %dot_general3A_22 = arith.constant dense<0.000000e+00> : vector<128x128xf32>
    %dot_general3A_23 = tpu.matmul %dot_general3A_21, %mul3A_19, %dot_general3A_22 {dimension_numbers = #tpu.dot_dimension_numbers<[1], [0], [0], [1], [0, 0, 1, 1], [], []>, precision = #tpu.contract_precision<fp32>, transpose_lhs_hint = false} : vector<128x128xf32>, vector<128x128xf32>, vector<128x128xf32> -> vector<128x128xf32>
    %slice3A = vector.extract_strided_slice %dot_general3A_23 {offsets = [0, 0], sizes = [100, 100], strides = [1, 1]} : vector<128x128xf32> to vector<100x100xf32>
    %get3A_24 = arith.constant 0 : index
    %get3A_25 = arith.constant 0 : index
    %get3A_26 = vector.load %arg1[%get3A_24, %get3A_25] : memref<100x128xf32, #tpu.memory_space<vmem>>, vector<100x128xf32>
    %get3A_27 = arith.constant 0 : index
    %get3A_28 = arith.constant 0 : index
    %get3A_29 = vector.load %arg2[%get3A_27, %get3A_28] : memref<128x128xf32, #tpu.memory_space<vmem>>, vector<128x128xf32>
    %dot_general3A_30 = arith.constant dense<0.000000e+00> : vector<100x128xf32>
    %dot_general3A_31 = tpu.matmul %get3A_26, %get3A_29, %dot_general3A_30 {dimension_numbers = #tpu.dot_dimension_numbers<[1], [0], [0], [1], [0, 0, 1, 1], [], []>, precision = #tpu.contract_precision<fp32>, transpose_lhs_hint = false} : vector<100x128xf32>, vector<128x128xf32>, vector<100x128xf32> -> vector<100x128xf32>
    %dot_general3A_32 = arith.constant dense<0.000000e+00> : vector<100x128xf32>
    %dot_general3A_33 = tpu.matmul %slice3A, %dot_general3A_31, %dot_general3A_32 {dimension_numbers = #tpu.dot_dimension_numbers<[1], [0], [0], [1], [0, 0, 1, 1], [], []>, precision = #tpu.contract_precision<fp32>, transpose_lhs_hint = false} : vector<100x100xf32>, vector<100x128xf32>, vector<100x128xf32> -> vector<100x128xf32>
    %get3A_34 = arith.constant 0 : index
    %get3A_35 = vector.load %arg3[%get3A_34] : memref<128xf32, #tpu.memory_space<vmem>>, vector<128xf32>
    %reshape3A = vector.shape_cast %get3A_35 : vector<128xf32> to vector<1x128xf32>
    %add3A_36 = vector.broadcast %reshape3A : vector<1x128xf32> to vector<100x128xf32>
    %add3A_37 = arith.addf %dot_general3A_33, %add3A_36 : vector<100x128xf32>
    %max3A = arith.constant 0.000000e+00 : f32
    %max3A_38 = vector.broadcast %max3A : f32 to vector<100x128xf32>
    %max3A_39 = arith.maximumf %add3A_37, %max3A_38 : vector<100x128xf32>
    %dot_general3A_40 = arith.constant dense<0.000000e+00> : vector<100x128xf32>
    %dot_general3A_41 = tpu.matmul %slice3A, %max3A_39, %dot_general3A_40 {dimension_numbers = #tpu.dot_dimension_numbers<[1], [0], [0], [1], [0, 0, 1, 1], [], []>, precision = #tpu.contract_precision<fp32>, transpose_lhs_hint = false} : vector<100x100xf32>, vector<100x128xf32>, vector<100x128xf32> -> vector<100x128xf32>
    %get3A_42 = arith.constant 0 : index
    %get3A_43 = arith.constant 0 : index
    %get3A_44 = vector.load %arg4[%get3A_42, %get3A_43] : memref<128x16xf32, #tpu.memory_space<vmem>>, vector<128x16xf32>
    %dot_general3A_45 = arith.constant dense<0.000000e+00> : vector<100x16xf32>
    %dot_general3A_46 = tpu.matmul %dot_general3A_41, %get3A_44, %dot_general3A_45 {dimension_numbers = #tpu.dot_dimension_numbers<[1], [0], [0], [1], [0, 0, 1, 1], [], []>, precision = #tpu.contract_precision<fp32>, transpose_lhs_hint = false} : vector<100x128xf32>, vector<128x16xf32>, vector<100x16xf32> -> vector<100x16xf32>
    %get3A_47 = arith.constant 0 : index
    %get3A_48 = vector.load %arg5[%get3A_47] : memref<16xf32, #tpu.memory_space<vmem>>, vector<16xf32>
    %reshape3A_49 = vector.shape_cast %get3A_48 : vector<16xf32> to vector<1x16xf32>
    %add3A_50 = vector.broadcast %reshape3A_49 : vector<1x16xf32> to vector<100x16xf32>
    %add3A_51 = arith.addf %dot_general3A_46, %add3A_50 : vector<100x16xf32>
    %swap3A = arith.constant 0 : index
    %swap3A_52 = arith.constant 0 : index
    %swap3A_53 = vector.load %arg6[%swap3A, %swap3A_52] : memref<100x16xf32, #tpu.memory_space<vmem>>, vector<100x16xf32>
    tpu.vector_store %arg6[%swap3A, %swap3A_52], %add3A_51 {strides = array<i32>} : memref<100x16xf32, #tpu.memory_space<vmem>>, vector<100x16xf32>,
    return
  }
}

</mosaic_0001>

<sc_bundles>
// kernel: kernel.4.cloned.1.call-start
scs
__scs_entry_jumppad:
0x0: {  	(pc) =	sbr.rel $0x88, $3  }
0x1: {  	(tag) =	ssettag $0x0;
	lr =	simm.s32 $0x1  }
0x2: {  	[smem:$0x3F9B] =	sst lr;
	_ =	strace $0xD0000000  }
0x3: {  	_ = 	snop  }
0x4: {  	_ = 	snop  }
0x5: {  	_ = 	snop  }
0x6: {  	_ = 	snop  }
0x7: {  	_ = 	snop  }
__scs_overlays_trampoline_lowered:
0x8: {  	[smem:$0x3FAA] =	sst s0  }
0x9: {  	[smem:$0x3FAB] =	sst s1  }
0xa: {  	[smem:$0x3FAC] =	sst s2  }
0xb: {  	[smem:$0x3FAD] =	sst s3  }
0xc: {  	[smem:$0x3FAE] =	sst s4  }
0xd: {  	[smem:$0x3FAF] =	sst s5  }
0xe: {  	[smem:$0x3FB0] =	sst s6  }
0xf: {  	[smem:$0x3FB1] =	sst s7  }
0x10: {  	[smem:$0x3FB2] =	sst s8  }
0x11: {  	[smem:$0x3FB3] =	sst s9;
	s0 =	simm.s32 @!p0 $0x0  }
0x12: {  	s1 =	sld [smem:$0x3F99];
	s0 =	simm.s32 @p0 $0x1  }
0x13: {  	[smem:$0x3FB4] =	sst s0;
	s0 =	simm.s32 @!p1 $0x0  }
0x14: {  	s2 =	sld [smem:$0x3F98];
	s0 =	simm.s32 @p1 $0x1  }
0x15: {  	[smem:$0x3FB5] =	sst s0;
	s0 =	simm.s32 @!p2 $0x0  }
0x16: {  	s3 =	sld [smem:$0x3FDB];
	s0 =	simm.s32 @p2 $0x1  }
0x17: {  	s4 =	simm.s32 $0x1BF5;
	[smem:$0x3FB7] =	sst s0  }
0x18: {  	s0 =	sld [smem:$0x3F9A];
	_ =	swait.ge [sflag:s4], $0x0  }
0x19: {  	s7 =	sld [smem:$0x3F9B]  }
0x1a: {  	s8 =	sadd.s32 $0xFFFFE003, lr  }
0x1b: {  	s9 =	sadd.s32 $0xFFFFFEF7, lr;
	s5 =	simm.s32 $0xFFFFFFFF;
	p2 =	slt.u32 s8, $0xFFFFF086  }
0x1c: {  	p1 =	slt.u32 s9, $0xF7A;
	s5 =	simm.s32 @!p2 $0x0  }
0x1d: {  	s5 =	simm.s32 @p1 $0x1;
	p0 =	seq.s32 s7, s2  }
0x1e: {  	s7 =	smul.u32 @!p0 $0xF7A, s2;
	p2 =	seq.s32 @!p0 s5, $0x0  }
0x1f: {  	s9 =	smul.u32 $0xF7A, s1;
	s8 =	simm.s32 @!p0 $0x1BF5;
	p2 =	por !p2, p0  }
0x20: {  	[sflag:s8] =	ssyncset.s32 @!p0 $0xFFFFF086;
	s6 =	sadd.s32 @!p0 s3, s7;
	s7 =	simm.s32 @!p0 $0x108  }
0x21: {  	s3 =	sadd.s32 s3, s9;
	s6 =	sadd.s32 @!p0 $0x88, s6;
	s7 =	simm.s32 @p2 $0x1082  }
0x22: {  	[simem:s7], [sflag:s8] =	dma.local @!p0 [hbm:s6], $0xF7A  }
0x23: {  	s9 =	sor.u32 $0xD0000000, s2;
	s6 =	simm.s32 $0x108;
	_ =	swait.ge @!p0 [sflag:s8], $0x0  }
0x24: {  	s3 =	sadd.s32 $0x88, s3;
	s6 =	simm.s32 @!p1 $0x1082;
	[sflag:s4] =	ssyncset.s32 $0xFFFFF086  }
0x25: {  	[simem:s6], [sflag:s4] =	dma.local [hbm:s3], $0xF7A  }
0x26: {  	[smem:$0x3F9B] =	sst s1;
	(tag) =	ssettag s2;
	_ =	strace s9  }
0x27: {  	s1 =	sld [smem:$0x3FAB]  }
0x28: {  	s2 =	sld [smem:$0x3FAC]  }
0x29: {  	s4 =	sld [smem:$0x3FAE]  }
0x2a: {  	p0 =	seq.s32 s5, $0x0;
	s5 =	sld [smem:$0x3FAF]  }
0x2b: {  	s6 =	sld [smem:$0x3FB0]  }
0x2c: {  	s7 =	sld [smem:$0x3FB1]  }
0x2d: {  	s3 =	simm.s32 $0x108;
	s8 =	sld [smem:$0x3FB2]  }
0x2e: {  	s3 =	simm.s32 @!p0 $0x1082;
	s9 =	sld [smem:$0x3FB3]  }
0x2f: {  	lr =	sadd.s32 s0, s3;
	s0 =	sld [smem:$0x3FAA]  }
0x30: {  	s3 =	sld [smem:$0x3FAD]  }
0x31: {  	[smem:$0x3FB6] =	sst s10  }
0x32: {  	s10 =	sld [smem:$0x3FB4];
	_ =	sdelay $0x3  }
0x33: {  	p0 =	seq.s32 s10, $0x1;
	s10 =	sld [smem:$0x3FB6];
	_ =	sdelay $0x3  }
0x34: {  	[smem:$0x3FB6] =	sst s10  }
0x35: {  	s10 =	sld [smem:$0x3FB5];
	_ =	sdelay $0x3  }
0x36: {  	p1 =	seq.s32 s10, $0x1;
	s10 =	sld [smem:$0x3FB6];
	_ =	sdelay $0x3  }
0x37: {  	[smem:$0x3FB6] =	sst s10  }
0x38: {  	s10 =	sld [smem:$0x3FB7]  }
0x39: {  	_ = 	snop;
	(pc) =	sbr.ind lr, $3  }
0x3a: {  	_ = 	snop  }
0x3b: {  	_ = 	snop  }
0x3c: {  	p2 =	seq.s32 s10, $0x1;
	s10 =	sld [smem:$0x3FB6]  }
0x3d: {  	_ =	shalt  }
0x3e: {  	_ =	shalt  }
0x3f: {  	_ =	shalt  }
0x40: {  	_ =	shalt  }
0x41: {  	_ =	shalt  }
0x42: {  	_ =	shalt  }
0x43: {  	_ =	shalt  }
0x44: {  	_ =	shalt  }
0x45: {  	_ =	shalt  }
0x46: {  	_ =	shalt  }
0x47: {  	_ =	shalt  }
0x48: {  	_ =	shalt  }
0x49: {  	_ =	shalt  }
0x4a: {  	_ =	shalt  }
0x4b: {  	_ =	shalt  }
0x4c: {  	_ =	shalt  }
0x4d: {  	_ =	shalt  }
0x4e: {  	_ =	shalt  }
0x4f: {  	_ =	shalt  }
0x50: {  	_ =	shalt  }
0x51: {  	_ =	shalt  }
0x52: {  	_ =	shalt  }
0x53: {  	_ =	shalt  }
0x54: {  	_ =	shalt  }
0x55: {  	_ =	shalt  }
0x56: {  	_ =	shalt  }
0x57: {  	_ =	shalt  }
0x58: {  	_ =	shalt  }
0x59: {  	_ =	shalt  }
0x5a: {  	_ =	shalt  }
0x5b: {  	_ =	shalt  }
0x5c: {  	_ =	shalt  }
0x5d: {  	_ =	shalt  }
0x5e: {  	_ =	shalt  }
0x5f: {  	_ =	shalt  }
0x60: {  	_ =	shalt  }
0x61: {  	_ =	shalt  }
0x62: {  	_ =	shalt  }
0x63: {  	_ =	shalt  }
0x64: {  	_ =	shalt  }
0x65: {  	_ =	shalt  }
0x66: {  	_ =	shalt  }
0x67: {  	_ =	shalt  }
0x68: {  	_ =	shalt  }
0x69: {  	_ =	shalt  }
0x6a: {  	_ =	shalt  }
0x6b: {  	_ =	shalt  }
0x6c: {  	_ =	shalt  }
0x6d: {  	_ =	shalt  }
0x6e: {  	_ =	shalt  }
0x6f: {  	_ =	shalt  }
0x70: {  	_ =	shalt  }
0x71: {  	_ =	shalt  }
0x72: {  	_ =	shalt  }
0x73: {  	_ =	shalt  }
0x74: {  	_ =	shalt  }
0x75: {  	_ =	shalt  }
0x76: {  	_ =	shalt  }
0x77: {  	_ =	shalt  }
0x78: {  	_ =	shalt  }
0x79: {  	_ =	shalt  }
0x7a: {  	_ =	shalt  }
0x7b: {  	_ =	shalt  }
0x7c: {  	_ =	shalt  }
0x7d: {  	_ =	shalt  }
0x7e: {  	_ =	shalt  }
0x7f: {  	_ =	shalt  }
0x80: {  	_ =	shalt  }
0x81: {  	_ =	shalt  }
0x82: {  	_ =	shalt  }
0x83: {  	_ =	shalt  }
0x84: {  	_ =	shalt  }
0x85: {  	_ =	shalt  }
0x86: {  	_ =	shalt  }
0x87: {  	_ =	shalt  }
.Lfunc_end0:
.L_simem_size_0:
called_computation_lowered:
.L_overlay_start_0:
0x88: {  	s2 =	sld [smem:$0x3FD9]  }
0x89: {  	s3 =	sld [smem:$0x3FFE];
	_ =	sdelay $0x1  }
0x8a: {  	s1 =	srdreg.scid  }
0x8b: {  	s0 =	sand.u32 $0x1, s1  }
0x8c: {  	s17 =	sshll.u32 s0, $0xA;
	s2 =	sadd.s32 s3, s2  }
0x8d: {  	s2 =	sadd.s32 s2, s17  }
0x8e: {  	[smem:$0x3FC2] =	sst s2  }
0x8f: {  	_ = 	snop  }
0x90: {  	s2 =	sld [smem:$0x3FC8];
	(tm) =	ssettm $0x1  }
0x91: {  	s18 =	sld [smem:$0x3FFB];
	_ =	sdelay $0x3  }
0x92: {  	_ =	strace s18  }
0x93: {  	s3 =	sld [smem:$0x3FFC];
	_ =	sdelay $0x3  }
0x94: {  	_ =	strace s3  }
0x95: {  	s3 =	sld [smem:$0x3FFD];
	_ =	sdelay $0x3  }
0x96: {  	_ =	strace s3  }
0x97: {  	_ =	strace $0x8FFFFFFF  }
0x98: {  	s19 =	sld [smem:$0x3FDB];
	_ =	sdelay $0x1  }
0x99: {  	s4 =	simm.s32 $_scs_section_size  }
0x9a: {  	s5 =	simm.s32 $_size__tile_overlayer_lowered;
	s6 =	simm.s32 $_tile_overlayer_lowered  }
0x9b: {  	s22 =	simm.s32 $0x1BFF;
	s21 =	sshll.u32 s6, $0x1;
	s3 =	sadd.s32 s4, s19  }
0x9c: {  	s7 =	simm.s32 $0x0;
	s20 =	sshll.u32 s5, $0x1;
	s5 =	sadd.s32 s21, s3  }
0x9d: {  	[timem:s7], [sflag:s22] =	dma.local [hbm:s5], s20  }
0x9e: {  	_ =	swait.ge [sflag:s22], s20  }
0x9f: {  	s4 =	ssub.s32 $0x0, s20;
	[sflag:s22] =	ssyncset.done $0x0  }
0xa0: {  	[sflag:s22] =	ssyncadd.s32 s4;
	_ =	sdelay $0x1  }
0xa1: {  	s23 =	simm.s32 $0x1B8B  }
0xa2: {  	_ =	swait.ge [sflag:s23], $0x1  }
0xa3: {  	[sflag:s23] =	ssyncset.done $0x0  }
0xa4: {  	s25 =	simm.s32 $0x1B8E;
	s24 =	sld [smem:$0x3FFE];
	[sflag:s23] =	ssyncadd.s32 $0xFFFFFFFF  }
0xa5: {  	s26 =	simm.s32 $execute0_lowered;
	[smem:$0x3FD2] =	sst s25  }
0xa6: {  	s5 =	sshll.u32 s26, $0x1;
	_ =	strace $0x80000046;
	[dreg:$0x1] =	wrdreg $0xFFFFFFFF  }
0xa7: {  	s28 =	simm.s32 $_size_execute0_lowered;
	s3 =	sadd.s32 s3, s5;
	[dreg:$0x0] =	wrdreg $0x0  }
0xa8: {  	s5 =	sshll.u32 s28, $0x1;
	[dreg:$0x2] =	wrdreg s3  }
0xa9: {  	[dreg:$0x3] =	wrdreg s5  }
0xaa: {  	[dreg:$0x4] =	wrdreg $0xC0  }
0xab: {  	_ =	task [dreg:s7], $0x5FFFF  }
0xac: {  	[dreg:$0x1] =	wrdreg $0xFFFFFFFF  }
0xad: {  	[dreg:$0x0] =	wrdreg $0x60  }
0xae: {  	[dreg:$0x2] =	wrdreg s2  }
0xaf: {  	[dreg:$0x3] =	wrdreg s24  }
0xb0: {  	[dreg:$0x4] =	wrdreg $0x9  }
0xb1: {  	_ =	task.clear_ibuf [dreg:s7], $0x5FFFF;
	_ =	strace $0x90000046  }
0xb2: {  	s29 =	simm.s32 $0x9;
	_ =	strace $0x80000048  }
0xb3: {  	_ =	swait.ge [sflag:s29], $0x1  }
0xb4: {  	[sflag:s29] =	ssyncadd.s32 $0xFFFFFFFF  }
0xb5: {  	_ =	strace $0x90000048  }
0xb6: {  	_ =	sfence  }
0xb7: {  	s30 =	sld [smem:$0x0];
	_ =	sdelay $0x2  }
0xb8: {  	s31 =	sshll.u32 s1, $0xD;
	s1 =	sshrl.u32 s1, $0x2  }
0xb9: {  	s3 =	sand.u32 $0x4000, s31;
	s1 =	sadd.s32 s1, s30  }
0xba: {  	s0 =	sor.u32 s3, s0;
	s1 =	sshll.u32 s1, $0x11  }
0xbb: {  	s0 =	sor.u32 s1, s0  }
0xbc: {  	s0 =	sadd.s32 $0x8F2B, s0  }
0xbd: {  	[sflag:s0] =	ssyncadd.remote.s32 $0x1  }
0xbe: {  	_ =	sfence.sel $0xFFFF  }
0xbf: {  	[dreg:$0x0] =	wrdreg $0xFFFFFFFF;
	(pc) =	sbr.abs _section_cstart, $3  }
0xc0: {  	[dreg:$0x1] =	wrdreg $0xFFFFFFFF  }
0xc1: {  	_ =	task.clear_ibuf [dreg:s7], $0x2FFFF;
	_ =	strace $0x9FFFFFFF  }
0xc2: {  	(tm) =	ssettm $0x7FFFFFFF  }
0xc3: {  	_ =	shalt  }
tec
execute0_lowered:
.L_overlay_start_1:
0x0: {  	(tag) =	ssettag $0x1  }
0x1: {  	s1 =	rddreg [dreg:$0x0]  }
0x2: {  	s4 =	rddreg [dreg:$0x1]  }
0x3: {  	s0 =	rddreg [dreg:$0x2];
	s3 =	simm.s32 $0x0;
	s2 =	stileid.u32  }
0x4: {  	s5 =	srdreg.scid;
	[smem:$0x7FF] =	sst s3  }
0x5: {  	s5 =	sand.u32 $0x1, s5;
	s6 =	sshll.u32 s2, $0x1;
	s7 =	sshrl.u32 s2, $0x2  }
0x6: {  	_ =	strace $0x80000047;
	s8 =	ssub.s32 $0x2, s5;
	s9 =	sshll.u32 s7, $0xB  }
0x7: {  	s6 =	sand.u32 $0x6, s6;
	s28 =	sadd.s32 s9, s4;
	s4 =	smul.u32 $0x320, s7  }
0x8: {  	s10 =	sshrl.u32 s8, $0x1;
	s5 =	sor.u32 s5, s6;
	s7 =	smul.u32 $0x640, s7  }
0x9: {  	s9 =	simm.s32 $0x1900;
	s8 =	ssub.s32 s8, s10;
	s29 =	sshll.u32 s5, $0x8  }
0xa: {  	s30 =	sshll.u32 s5, $0x4;
	s10 =	simm.s32 $0x0;
	s31 =	sadd.s32 s29, s28  }
0xb: {  	v1 =	vimm.f32 $0.0e+00;
	v2 =	vimm.f32 $1.000000000e+00;
	s6 =	smax.u32 s8, $0x1;
	v0 =	vmov s30;
	s8 =	simm.s32 $0x1;
	s5 =	sadd.s32 $0x1000, s31  }
.LBB2_1:
0xc: {  	[tilespmem:$0x1900] =	vst v1  }
0xd: {  	[tilespmem:$0x1910] =	vst v1  }
0xe: {  	[tilespmem:$0x1920] =	vst v1  }
0xf: {  	[tilespmem:$0x1930] =	vst v1  }
0x10: {  	[tilespmem:$0x1940] =	vst v1  }
0x11: {  	[tilespmem:$0x1950] =	vst v1  }
0x12: {  	[tilespmem:$0x1960] =	vst v1  }
0x13: {  	[tilespmem:$0x1970] =	vst v1  }
0x14: {  	[tilespmem:$0x1980] =	vst v1  }
0x15: {  	[tilespmem:$0x1990] =	vst v1  }
0x16: {  	[tilespmem:$0x19A0] =	vst v1  }
0x17: {  	[tilespmem:$0x19B0] =	vst v1  }
0x18: {  	[tilespmem:$0x19C0] =	vst v1  }
0x19: {  	[tilespmem:$0x19D0] =	vst v1  }
0x1a: {  	[tilespmem:$0x19E0] =	vst v1  }
0x1b: {  	[tilespmem:$0x19F0] =	vst v1  }
0x1c: {  	[tilespmem:$0x1A00] =	vst v1  }
0x1d: {  	[tilespmem:$0x1A10] =	vst v1  }
0x1e: {  	[tilespmem:$0x1A20] =	vst v1  }
0x1f: {  	[tilespmem:$0x1A30] =	vst v1  }
0x20: {  	[tilespmem:$0x1A40] =	vst v1  }
0x21: {  	[tilespmem:$0x1A50] =	vst v1  }
0x22: {  	[tilespmem:$0x1A60] =	vst v1  }
0x23: {  	[tilespmem:$0x1A70] =	vst v1  }
0x24: {  	[tilespmem:$0x1A80] =	vst v1  }
0x25: {  	[tilespmem:$0x1A90] =	vst v1  }
0x26: {  	[tilespmem:$0x1AA0] =	vst v1  }
0x27: {  	[tilespmem:$0x1AB0] =	vst v1  }
0x28: {  	[tilespmem:$0x1AC0] =	vst v1  }
0x29: {  	[tilespmem:$0x1AD0] =	vst v1  }
0x2a: {  	[tilespmem:$0x1AE0] =	vst v1  }
0x2b: {  	[tilespmem:$0x1AF0] =	vst v1  }
0x2c: {  	[tilespmem:$0x1B00] =	vst v1  }
0x2d: {  	[tilespmem:$0x1B10] =	vst v1  }
0x2e: {  	[tilespmem:$0x1B20] =	vst v1  }
0x2f: {  	[tilespmem:$0x1B30] =	vst v1  }
0x30: {  	[tilespmem:$0x1B40] =	vst v1  }
0x31: {  	[tilespmem:$0x1B50] =	vst v1  }
0x32: {  	[tilespmem:$0x1B60] =	vst v1  }
0x33: {  	[tilespmem:$0x1B70] =	vst v1  }
0x34: {  	[tilespmem:$0x1B80] =	vst v1  }
0x35: {  	[tilespmem:$0x1B90] =	vst v1  }
0x36: {  	[tilespmem:$0x1BA0] =	vst v1  }
0x37: {  	[tilespmem:$0x1BB0] =	vst v1  }
0x38: {  	[tilespmem:$0x1BC0] =	vst v1  }
0x39: {  	[tilespmem:$0x1BD0] =	vst v1  }
0x3a: {  	[tilespmem:$0x1BE0] =	vst v1  }
0x3b: {  	[tilespmem:$0x1BF0] =	vst v1  }
0x3c: {  	[tilespmem:$0x1C00] =	vst v1  }
0x3d: {  	[tilespmem:$0x1C10] =	vst v1  }
0x3e: {  	[tilespmem:$0x1C20] =	vst v1  }
0x3f: {  	[tilespmem:$0x1C30] =	vst v1  }
0x40: {  	[tilespmem:$0x1C40] =	vst v1  }
0x41: {  	[tilespmem:$0x1C50] =	vst v1  }
0x42: {  	[tilespmem:$0x1C60] =	vst v1  }
0x43: {  	[tilespmem:$0x1C70] =	vst v1  }
0x44: {  	[tilespmem:$0x1C80] =	vst v1  }
0x45: {  	[tilespmem:$0x1C90] =	vst v1  }
0x46: {  	[tilespmem:$0x1CA0] =	vst v1  }
0x47: {  	[tilespmem:$0x1CB0] =	vst v1  }
0x48: {  	[tilespmem:$0x1CC0] =	vst v1  }
0x49: {  	[tilespmem:$0x1CD0] =	vst v1  }
0x4a: {  	[tilespmem:$0x1CE0] =	vst v1  }
0x4b: {  	[tilespmem:$0x1CF0] =	vst v1  }
0x4c: {  	[tilespmem:$0x1D00] =	vst v1  }
0x4d: {  	[tilespmem:$0x1D10] =	vst v1  }
0x4e: {  	[tilespmem:$0x1D20] =	vst v1  }
0x4f: {  	[tilespmem:$0x1D30] =	vst v1  }
0x50: {  	[tilespmem:$0x1D40] =	vst v1  }
0x51: {  	[tilespmem:$0x1D50] =	vst v1  }
0x52: {  	[tilespmem:$0x1D60] =	vst v1  }
0x53: {  	[tilespmem:$0x1D70] =	vst v1  }
0x54: {  	[tilespmem:$0x1D80] =	vst v1  }
0x55: {  	[tilespmem:$0x1D90] =	vst v1  }
0x56: {  	[tilespmem:$0x1DA0] =	vst v1  }
0x57: {  	[tilespmem:$0x1DB0] =	vst v1  }
0x58: {  	[tilespmem:$0x1DC0] =	vst v1  }
0x59: {  	[tilespmem:$0x1DD0] =	vst v1  }
0x5a: {  	[tilespmem:$0x1DE0] =	vst v1  }
0x5b: {  	[tilespmem:$0x1DF0] =	vst v1  }
0x5c: {  	[tilespmem:$0x1E00] =	vst v1  }
0x5d: {  	[tilespmem:$0x1E10] =	vst v1  }
0x5e: {  	[tilespmem:$0x1E20] =	vst v1  }
0x5f: {  	[tilespmem:$0x1E30] =	vst v1  }
0x60: {  	[tilespmem:$0x1E40] =	vst v1  }
0x61: {  	[tilespmem:$0x1E50] =	vst v1  }
0x62: {  	[tilespmem:$0x1E60] =	vst v1  }
0x63: {  	[tilespmem:$0x1E70] =	vst v1  }
0x64: {  	[tilespmem:$0x1E80] =	vst v1  }
0x65: {  	[tilespmem:$0x1E90] =	vst v1  }
0x66: {  	[tilespmem:$0x1EA0] =	vst v1  }
0x67: {  	[tilespmem:$0x1EB0] =	vst v1  }
0x68: {  	[tilespmem:$0x1EC0] =	vst v1  }
0x69: {  	[tilespmem:$0x1ED0] =	vst v1  }
0x6a: {  	[tilespmem:$0x1EE0] =	vst v1  }
0x6b: {  	[tilespmem:$0x1EF0] =	vst v1  }
0x6c: {  	[tilespmem:$0x1F00] =	vst v1  }
0x6d: {  	[tilespmem:$0x1F10] =	vst v1  }
0x6e: {  	[tilespmem:$0x1F20] =	vst v1  }
0x6f: {  	[tilespmem:$0x1F30] =	vst v1  }
0x70: {  	[tilespmem:$0x1F40] =	vst v1  }
0x71: {  	[tilespmem:$0x1F50] =	vst v1  }
0x72: {  	[tilespmem:$0x1F60] =	vst v1  }
0x73: {  	[tilespmem:$0x1F70] =	vst v1  }
0x74: {  	[tilespmem:$0x1F80] =	vst v1  }
0x75: {  	[tilespmem:$0x1F90] =	vst v1  }
0x76: {  	[tilespmem:$0x1FA0] =	vst v1  }
0x77: {  	[tilespmem:$0x1FB0] =	vst v1  }
0x78: {  	[tilespmem:$0x1FC0] =	vst v1  }
0x79: {  	[tilespmem:$0x1FD0] =	vst v1  }
0x7a: {  	[tilespmem:$0x1FE0] =	vst v1  }
0x7b: {  	[tilespmem:$0x1FF0] =	vst v1  }
0x7c: {  	[tilespmem:$0x2000] =	vst v1  }
0x7d: {  	[tilespmem:$0x2010] =	vst v1  }
0x7e: {  	[tilespmem:$0x2020] =	vst v1  }
0x7f: {  	[tilespmem:$0x2030] =	vst v1  }
0x80: {  	[tilespmem:$0x2040] =	vst v1  }
0x81: {  	[tilespmem:$0x2050] =	vst v1  }
0x82: {  	[tilespmem:$0x2060] =	vst v1  }
0x83: {  	[tilespmem:$0x2070] =	vst v1  }
0x84: {  	[tilespmem:$0x2080] =	vst v1  }
0x85: {  	[tilespmem:$0x2090] =	vst v1  }
0x86: {  	[tilespmem:$0x20A0] =	vst v1  }
0x87: {  	[tilespmem:$0x20B0] =	vst v1  }
0x88: {  	[tilespmem:$0x20C0] =	vst v1  }
0x89: {  	[tilespmem:$0x20D0] =	vst v1  }
0x8a: {  	[tilespmem:$0x20E0] =	vst v1  }
0x8b: {  	[tilespmem:$0x20F0] =	vst v1  }
0x8c: {  	[tilespmem:s3], [sflag:$0x1] =	stream.linear.gather [hbm4b:s1+s3], $0x1900, $0x38;
	[tilespmem:$0x2100] =	vst v63  }
0x8d: {  	s11 =	sadd.s32 $0x0, s4;
	_ =	swait.ge [sflag:s8], $0x1900  }
0x8e: {  	s12 =	sand.u32 $0x3F00, s7;
	s11 =	sand.u32 $0x70, s11;
	[sflag:s8] =	ssyncset.done $0x0  }
0x8f: {  	s11 =	sor.u32 s11, s12;
	[sflag:s8] =	ssyncadd.s32 $0xFFFFE700  }
0x90: {  	v3 =	vld [tilespmem:s11+$0x80];
	_ =	sdelay $0x1  }
0x91: {  	v4 =	vld [tilespmem:s11+$0x0];
	_ =	sdelay $0x2  }
0x92: {  	v3 =	vsub.s32 v3, v0  }
0x93: {  	vm0 =	vlt.u32 v3, $0x10;
	v3 =	vshll.u32 v3, $0x7  }
0x94: {  	v5 =	vand.u32 $0xFFFFFF80, v4;
	v3 =	vnsel vm0, $0x0, v3  }
0x95: {  	v4 =	vand.u32 $0x7F, v4;
	v3 =	vadd.s32 v5, v3  }
0x96: {  	v3 =	vor.u32 v4, v3;
	_ =	sdelay $0x2  }
0x97: {  	s13 =	sadd.s32 $0x10, s4;
	s12 =	simm.s32 $0x20;
	s11 =	sadd.s32 $0x20, s7  }
.LBB2_2:
0x98: {  	p0 =	sne.s32 s12, $0x310;
	s13 =	sand.u32 $0x70, s13;
	s14 =	sand.u32 $0x3F00, s11  }
0x99: {  	s13 =	sor.u32 s13, s14;
	[tilespmem:v3+s9+$0x0] =	vst.idx.add.f32.msk vm0, v2  }
0x9a: {  	v3 =	vld [tilespmem:s13+$0x80];
	_ =	sdelay $0x1  }
0x9b: {  	v4 =	vld [tilespmem:s13+$0x0];
	_ =	sdelay $0x2  }
0x9c: {  	v3 =	vsub.s32 v3, v0  }
0x9d: {  	vm0 =	vlt.u32 v3, $0x10;
	v3 =	vshll.u32 v3, $0x7  }
0x9e: {  	v5 =	vand.u32 $0xFFFFFF80, v4;
	v3 =	vnsel vm0, $0x0, v3  }
.Ltmp0:
0x9f: {  	v4 =	vand.u32 $0x7F, v4;
	v3 =	vadd.s32 v5, v3;
	(pc) =	sbr.rel @p0 .LBB2_2-.Ltmp0, $2  }
0xa0: {  	v3 =	vor.u32 v4, v3;
	_ =	sdelay $0x2  }
0xa1: {  	s11 =	sadd.s32 $0x20, s11;
	s13 =	sadd.s32 s12, s4;
	s12 =	sadd.s32 $0x10, s12  }
0xa2: {  	_ =	sdelay $0x3  }
0xa3: {  	s12 =	sand.u32 $0x70, s13;
	s11 =	sand.u32 $0x3F00, s11  }
0xa4: {  	[tilespmem:v3+s9+$0x0] =	vst.idx.add.f32.msk vm0, v2;
	s11 =	sor.u32 s12, s11  }
0xa5: {  	v3 =	vld [tilespmem:s11+$0x80];
	_ =	sdelay $0x1  }
0xa6: {  	v4 =	vld [tilespmem:s11+$0x0];
	_ =	sdelay $0x2  }
0xa7: {  	v3 =	vsub.s32 v3, v0  }
0xa8: {  	vm15 =	vlt.u32 v3, $0x10;
	v3 =	vshll.u32 v3, $0x7  }
0xa9: {  	v5 =	vand.u32 $0xFFFFFF80, v4;
	v3 =	vnsel vm15, $0x0, v3  }
0xaa: {  	v4 =	vand.u32 $0x7F, v4;
	v3 =	vadd.s32 v5, v3  }
0xab: {  	v3 =	vor.u32 v4, v3;
	_ =	sdelay $0x2  }
0xac: {  	s10 =	sadd.s32 $0x1, s10  }
0xad: {  	p0 =	sne.s32 s10, s6  }
.Ltmp1:
0xae: {  	[tilespmem:v3+s9+$0x0] =	vst.idx.add.f32.msk vm15, v2;
	(pc) =	sbr.rel @p0 .LBB2_1-.Ltmp1, $4  }
0xaf: {  	[hbm4b:s5+s3] =	stream.linear.scatter [tilespmem:s9], [sflag:$0x1], $0x800, $0x38;
	[tilespmem:$0x2100] =	vst v63  }
0xb0: {  	_ =	swait.ge [sflag:s8], $0x800  }
0xb1: {  	[sflag:s8] =	ssyncset.done $0x0  }
0xb2: {  	[sflag:s8] =	ssyncadd.s32 $0xFFFFF800  }
0xb3: {  	_ =	sfence.sel $0x180000  }
0xb4: {  	[bflag:$0x0] =	sbarrier.arrive $0xFFFF  }
0xb5: {  	p0 =	sne.s32 s2, $0x0;
	_ =	strace $0x90000047  }
0xb6: {  	s0 =	sadd.s32 @!p0 $0x100000, s0;
	[bflag:$0x2] =	sbarrier.arrive $0xFFFF  }
0xb7: {  	[sflag:s0] =	ssyncadd.tile.s32 @!p0 $0x1;
	_ =	shalt  }
.Lfunc_end2:
_tile_overlayer_lowered:
.L_overlay_start_2:
0xb8: {  	(tag) =	ssettag $0x2  }
0xb9: {  	s0 =	rddreg [dreg:$0x0];
	s2 =	stileid.u32  }
0xba: {  	s1 =	rddreg [dreg:$0x1];
	p0 =	sne.s32 s2, $0x0  }
0xbb: {  	s3 =	rddreg [dreg:$0x2];
	[bflag:$0x3] =	sbarrier.arrive $0xFFFF;
	s2 =	simm.s32 @!p0 $0x1C01  }
0xbc: {  	[timem:s3], [sflag:s2] =	dma.local @!p0 [hbm:s0], s1  }
0xbd: {  	s0 =	simm.s32 @!p0 $0x1  }
0xbe: {  	_ =	swait.ge @!p0 [sflag:s0], s1  }
0xbf: {  	s1 =	ssub.s32 @!p0 $0x0, s1;
	[sflag:s0] =	ssyncset.done @!p0 $0x0  }
0xc0: {  	[sflag:s0] =	ssyncadd.s32 @!p0 s1  }
0xc1: {  	[bflag:$0x3] =	sbarrier.arrive $0xFFFF  }
0xc2: {  	_ =	shalt  }

</sc_bundles>
